<compile_context>
chip_gen: v7x
topology: tpu7x:2x2x1
jax: 0.10.2.dev20260603
libtpu: 0.0.44.dev20260713+nightly
codegen_flags: <defaults>
</compile_context>

<pallas_src>
import jax
import jax.numpy as jnp
from jax import lax
from jax.experimental import pallas as pl
from jax.experimental.pallas import tpu as pltpu
from jax.experimental.pallas import tpu_sc as plsc

MODEL_DIM = 64
SCALE = 8.0

NC = 2
NS = 16
LANE = 16
IDX_W = 128
UNITS_PER_BATCH = 4
BATCH_ROWS = UNITS_PER_BATCH * IDX_W

S0 = 4096
S1 = 200
CBLK = S0 // IDX_W
W_S1 = 8
W_C = 4
S1_PER_W = S1 // W_S1
CG_PER_W = CBLK // W_C
NBATCH = S1_PER_W * (CG_PER_W // UNITS_PER_BATCH)


def _body(idx_hbm, table_hbm, out_hbm,
          idx_all, rows_v0, rows_v1, sem0, sem1):
    wid = lax.axis_index("s") * NC + lax.axis_index("c")
    s1_base = (wid // W_C) * S1_PER_W
    c_base = (wid % W_C) * CG_PER_W

    pltpu.sync_copy(
        idx_hbm.at[pl.ds(s1_base, S1_PER_W),
                   pl.ds(c_base * IDX_W, CG_PER_W * IDX_W)],
        idx_all)

    def coords(t):
        return s1_base + t // 2, c_base + lax.rem(t, 2) * UNITS_PER_BATCH

    def idx_slice(t, j):
        return idx_all.at[t // 2,
                          pl.ds(lax.rem(t, 2) * BATCH_ROWS + j * IDX_W, IDX_W)]

    def fetch_fire(t, rows_b, sem):
        for j in range(UNITS_PER_BATCH):
            pltpu.async_copy(
                table_hbm.at[idx_slice(t, j)],
                rows_b.at[pl.ds(j * IDX_W, IDX_W)],
                sem,
            )

    def process(t, rows_b, sem):
        s1, c0 = coords(t)
        pltpu.make_async_copy(
            table_hbm.at[idx_all.at[0, pl.ds(0, BATCH_ROWS)]],
            rows_b, sem).wait()

        @pl.loop(0, BATCH_ROWS)
        def _row(r):
            for k in range(MODEL_DIM // LANE):
                sl = pl.ds(k * LANE, LANE)
                rows_b[r, sl] = rows_b[r, sl] * SCALE

        for j in range(UNITS_PER_BATCH):
            pltpu.sync_copy(
                rows_b.at[pl.ds(j * IDX_W, IDX_W)],
                out_hbm.at[pl.ds((c0 + j) * IDX_W, IDX_W), s1],
            )

    fetch_fire(0, rows_v0, sem0)

    @pl.loop(0, NBATCH // 2)
    def _step(i):
        fetch_fire(2 * i + 1, rows_v1, sem1)
        process(2 * i, rows_v0, sem0)

        @pl.when(i < NBATCH // 2 - 1)
        def _prefetch():
            fetch_fire(2 * i + 2, rows_v0, sem0)

        process(2 * i + 1, rows_v1, sem1)


def kernel(x, table):
    xt = x.T.astype(jnp.int32)

    run = pl.kernel(
        _body,
        out_type=jax.ShapeDtypeStruct((S0, S1, MODEL_DIM), jnp.float32),
        mesh=plsc.VectorSubcoreMesh(core_axis_name="c", subcore_axis_name="s"),
        scratch_types=[
            pltpu.VMEM((S1_PER_W, CG_PER_W * IDX_W), jnp.int32),
            pltpu.VMEM((BATCH_ROWS, MODEL_DIM), jnp.float32),
            pltpu.VMEM((BATCH_ROWS, MODEL_DIM), jnp.float32),
            pltpu.SemaphoreType.DMA,
            pltpu.SemaphoreType.DMA,
        ],
        compiler_params=pltpu.CompilerParams(use_tc_tiling_on_sc=False),
    )
    return run(xt, table)

# --- scband reference (transcript-rebuilt; emitter-appended) ---
"""Pipeline reference for scband-input-embedding-layer-82214263980077 (READ-ONLY COPY).

The authoritative reference and input builder live on the scoring server;
editing this copy changes nothing except your own understanding.
"""

import jax, jax.numpy as jnp
import numpy as np

MODEL_DIM = 64
VOCAB_SIZE = 1000000

def setup_inputs(seed: int = 0) -> dict:
    key = jax.random.key(seed)
    k1, k2 = jax.random.split(key)
    x = jax.random.randint(k1, (4096, 200), 0, VOCAB_SIZE, dtype=jnp.int64 if jax.config.jax_enable_x64 else jnp.int32)
    table = jax.random.normal(k2, (VOCAB_SIZE, MODEL_DIM), dtype=jnp.float32)
    return {"x": x, "table": table}

def reference(x, table):
    # embedding lookup (gather) followed by sqrt(d_model) scaling
    emb = jnp.take(table, x, axis=0)
    emb = emb * jnp.sqrt(jnp.asarray(MODEL_DIM, dtype=emb.dtype))
    return emb

if __name__ == "__main__":
    import jax
    _d = setup_inputs()
    print(jax.jit(kernel)(*tuple(_d.values())))

</pallas_src>

<mosaic_0001>
#map = affine_map<(d0, d1) -> (0, 0)>
#map1 = affine_map<(d0, d1) -> (0, 0, 0)>
module attributes {stable_mosaic.version = 14 : i64} {
  func.func @_body(%arg0: i32, %arg1: i32, %arg2: memref<200x4096xi32, #tpu.memory_space<hbm>>, %arg3: memref<1000000x64xf32, #tpu.memory_space<hbm>>, %arg4: memref<4096x200x64xf32, #tpu.memory_space<hbm>>, %arg5: memref<25x1024xi32, #tpu.memory_space<vmem>>, %arg6: memref<512x64xf32, #tpu.memory_space<vmem>>, %arg7: memref<512x64xf32, #tpu.memory_space<vmem>>, %arg8: memref<!tpu.dma_semaphore, #tpu.memory_space<semaphore_mem>>, %arg9: memref<!tpu.dma_semaphore, #tpu.memory_space<semaphore_mem>>) attributes {dimension_semantics = [#tpu.dimension_semantics<core_parallel>, #tpu.dimension_semantics<subcore_parallel>], iteration_bounds = array<i64: 2, 16>, scalar_prefetch = 0 : i64, scratch_operands = 5 : i64, tpu.core_type = #tpu.core_type<sc_vector_subcore>, window_params = [{transform_indices = #map}, {transform_indices = #map}, {transform_indices = #map1}]} {
    %mul3A = arith.constant 2 : i32
    %mul3A_0 = arith.muli %arg1, %mul3A : i32
    %add3A = arith.addi %mul3A_0, %arg0 : i32
    %jit3A = arith.constant 4 : i32
    %div3A = arith.divsi %add3A, %jit3A : i32
    %sign3A = arith.constant 0 : i32
    %sign3A_1 = arith.cmpi sgt, %add3A, %sign3A : i32
    %sign3A_2 = arith.extui %sign3A_1 : i1 to i32
    %sign3A_3 = arith.constant 0 : i32
    %sign3A_4 = arith.cmpi slt, %add3A, %sign3A_3 : i32
    %sign3A_5 = arith.extui %sign3A_4 : i1 to i32
    %sign3A_6 = arith.subi %sign3A_2, %sign3A_5 : i32
    %sign3A_7 = arith.constant 0 : i32
    %sign3A_8 = arith.cmpi sgt, %jit3A, %sign3A_7 : i32
    %sign3A_9 = arith.extui %sign3A_8 : i1 to i32
    %sign3A_10 = arith.constant 0 : i32
    %sign3A_11 = arith.cmpi slt, %jit3A, %sign3A_10 : i32
    %sign3A_12 = arith.extui %sign3A_11 : i1 to i32
    %sign3A_13 = arith.subi %sign3A_9, %sign3A_12 : i32
    %ne3A = arith.cmpi ne, %sign3A_6, %sign3A_13 : i32
    %rem3A = arith.remsi %add3A, %jit3A : i32
    %ne3A_14 = arith.constant 0 : i32
    %ne3A_15 = arith.cmpi ne, %rem3A, %ne3A_14 : i32
    %and3A = arith.andi %ne3A, %ne3A_15 : i1
    %sub3A = arith.constant 1 : i32
    %sub3A_16 = arith.subi %div3A, %sub3A : i32
    %select_n3A = arith.select %and3A, %sub3A_16, %div3A : i32
    %mul3A_17 = arith.constant 25 : i32
    %mul3A_18 = arith.muli %select_n3A, %mul3A_17 : i32
    %jit3A_19 = arith.constant 4 : i32
    %eq3A = arith.constant 0 : i32
    %eq3A_20 = arith.cmpi eq, %jit3A_19, %eq3A : i32
    %jit3A_21 = arith.constant 1 : i32
    %select_n3A_22 = arith.select %eq3A_20, %jit3A_21, %jit3A_19 : i32
    %rem3A_23 = arith.remsi %add3A, %select_n3A_22 : i32
    %ne3A_24 = arith.constant 0 : i32
    %ne3A_25 = arith.cmpi ne, %rem3A_23, %ne3A_24 : i32
    %lt3A = arith.constant 0 : i32
    %lt3A_26 = arith.cmpi slt, %rem3A_23, %lt3A : i32
    %lt3A_27 = arith.constant 0 : i32
    %lt3A_28 = arith.cmpi slt, %select_n3A_22, %lt3A_27 : i32
    %ne3A_29 = arith.xori %lt3A_26, %lt3A_28 : i1
    %and3A_30 = arith.andi %ne3A_29, %ne3A_25 : i1
    %add3A_31 = arith.addi %rem3A_23, %select_n3A_22 : i32
    %select_n3A_32 = arith.select %and3A_30, %add3A_31, %rem3A_23 : i32
    %mul3A_33 = arith.constant 8 : i32
    %mul3A_34 = arith.muli %select_n3A_32, %mul3A_33 : i32
    %mul3A_35 = arith.constant 128 : i32
    %mul3A_36 = arith.muli %mul3A_34, %mul3A_35 : i32
    "tpu.region"() ({
      %run_scoped3A = tpu.sem_alloc : memref<!tpu.dma_semaphore, #tpu.memory_space<semaphore_mem>>
      %dma_start3A_104 = tpu.memref_slice %arg2[%mul3A_18, %mul3A_36] : memref<200x4096xi32, #tpu.memory_space<hbm>> -> memref<25x1024xi32, #tpu.memory_space<hbm>>
      %dma_start3A_105 = tpu.memref_slice %arg2[%mul3A_18, %mul3A_36] : memref<200x4096xi32, #tpu.memory_space<hbm>> -> memref<25x1024xi32, #tpu.memory_space<hbm>>
      tpu.enqueue_dma source(%dma_start3A_105 : memref<25x1024xi32, #tpu.memory_space<hbm>>) target(%arg5 : memref<25x1024xi32, #tpu.memory_space<vmem>>) target_semaphore(%run_scoped3A : memref<!tpu.dma_semaphore, #tpu.memory_space<semaphore_mem>>)
      %dma_wait3A = tpu.memref_slice %arg2[%mul3A_18, %mul3A_36] : memref<200x4096xi32, #tpu.memory_space<hbm>> -> memref<25x1024xi32, #tpu.memory_space<hbm>>
      %dma_wait3A_106 = tpu.memref_slice %arg2[%mul3A_18, %mul3A_36] : memref<200x4096xi32, #tpu.memory_space<hbm>> -> memref<25x1024xi32, #tpu.memory_space<hbm>>
      tpu.wait_dma2 semaphore(%run_scoped3A : memref<!tpu.dma_semaphore, #tpu.memory_space<semaphore_mem>>) src(%dma_wait3A_106 : memref<25x1024xi32, #tpu.memory_space<hbm>>) dst(%arg5 : memref<25x1024xi32, #tpu.memory_space<vmem>>)
      tpu.yield
    }) : () -> ()
    %rem3A_37 = arith.constant 0 : i32
    %rem3A_38 = arith.constant 2 : i32
    %rem3A_39 = arith.remsi %rem3A_37, %rem3A_38 : i32
    %mul3A_40 = arith.constant 512 : i32
    %mul3A_41 = arith.muli %rem3A_39, %mul3A_40 : i32
    %add3A_42 = arith.constant 0 : i32
    %add3A_43 = arith.addi %mul3A_41, %add3A_42 : i32
    %dma_start3A = arith.constant 0 : i32
    %dma_start3A_44 = arith.constant 0 : i32
    %dma_start3A_45 = arith.constant 0 : i32
    %dma_start3A_46 = tpu.memref_slice %arg6[%dma_start3A_44, %dma_start3A_45] : memref<512x64xf32, #tpu.memory_space<vmem>> -> memref<128x64xf32, #tpu.memory_space<vmem>>
    %dma_start3A_47 = tpu.memref_slice %arg5[%dma_start3A, %add3A_43] : memref<25x1024xi32, #tpu.memory_space<vmem>> -> memref<1x128xi32, #tpu.memory_space<vmem>>
    %dma_start3A_48 = tpu.memref_squeeze %dma_start3A_47 : memref<1x128xi32, #tpu.memory_space<vmem>> -> memref<128xi32, #tpu.memory_space<vmem>>
    %dma_start3A_49 = arith.constant 0 : i32
    %dma_start3A_50 = arith.constant 0 : i32
    %dma_start3A_51 = tpu.memref_slice %arg3[%dma_start3A_49, %dma_start3A_50] : memref<1000000x64xf32, #tpu.memory_space<hbm>> -> memref<1000000x64xf32, #tpu.memory_space<hbm>>
    tpu.enqueue_indirect_dma source(%dma_start3A_51 : memref<1000000x64xf32, #tpu.memory_space<hbm>>) target(%dma_start3A_46 : memref<128x64xf32, #tpu.memory_space<vmem>>) offsets(%dma_start3A_48 : memref<128xi32, #tpu.memory_space<vmem>>) semaphore(%arg8 : memref<!tpu.dma_semaphore, #tpu.memory_space<semaphore_mem>>)
    %rem3A_52 = arith.constant 0 : i32
    %rem3A_53 = arith.constant 2 : i32
    %rem3A_54 = arith.remsi %rem3A_52, %rem3A_53 : i32
    %mul3A_55 = arith.constant 512 : i32
    %mul3A_56 = arith.muli %rem3A_54, %mul3A_55 : i32
    %add3A_57 = arith.constant 128 : i32
    %add3A_58 = arith.addi %mul3A_56, %add3A_57 : i32
    %dma_start3A_59 = arith.constant 0 : i32
    %dma_start3A_60 = arith.constant 128 : i32
    %dma_start3A_61 = arith.constant 0 : i32
    %dma_start3A_62 = tpu.memref_slice %arg6[%dma_start3A_60, %dma_start3A_61] : memref<512x64xf32, #tpu.memory_space<vmem>> -> memref<128x64xf32, #tpu.memory_space<vmem>>
    %dma_start3A_63 = tpu.memref_slice %arg5[%dma_start3A_59, %add3A_58] : memref<25x1024xi32, #tpu.memory_space<vmem>> -> memref<1x128xi32, #tpu.memory_space<vmem>>
    %dma_start3A_64 = tpu.memref_squeeze %dma_start3A_63 : memref<1x128xi32, #tpu.memory_space<vmem>> -> memref<128xi32, #tpu.memory_space<vmem>>
    %dma_start3A_65 = arith.constant 0 : i32
    %dma_start3A_66 = arith.constant 0 : i32
    %dma_start3A_67 = tpu.memref_slice %arg3[%dma_start3A_65, %dma_start3A_66] : memref<1000000x64xf32, #tpu.memory_space<hbm>> -> memref<1000000x64xf32, #tpu.memory_space<hbm>>
    tpu.enqueue_indirect_dma source(%dma_start3A_67 : memref<1000000x64xf32, #tpu.memory_space<hbm>>) target(%dma_start3A_62 : memref<128x64xf32, #tpu.memory_space<vmem>>) offsets(%dma_start3A_64 : memref<128xi32, #tpu.memory_space<vmem>>) semaphore(%arg8 : memref<!tpu.dma_semaphore, #tpu.memory_space<semaphore_mem>>)
    %rem3A_68 = arith.constant 0 : i32
    %rem3A_69 = arith.constant 2 : i32
    %rem3A_70 = arith.remsi %rem3A_68, %rem3A_69 : i32
    %mul3A_71 = arith.constant 512 : i32
    %mul3A_72 = arith.muli %rem3A_70, %mul3A_71 : i32
    %add3A_73 = arith.constant 256 : i32
    %add3A_74 = arith.addi %mul3A_72, %add3A_73 : i32
    %dma_start3A_75 = arith.constant 0 : i32
    %dma_start3A_76 = arith.constant 256 : i32
    %dma_start3A_77 = arith.constant 0 : i32
    %dma_start3A_78 = tpu.memref_slice %arg6[%dma_start3A_76, %dma_start3A_77] : memref<512x64xf32, #tpu.memory_space<vmem>> -> memref<128x64xf32, #tpu.memory_space<vmem>>
    %dma_start3A_79 = tpu.memref_slice %arg5[%dma_start3A_75, %add3A_74] : memref<25x1024xi32, #tpu.memory_space<vmem>> -> memref<1x128xi32, #tpu.memory_space<vmem>>
    %dma_start3A_80 = tpu.memref_squeeze %dma_start3A_79 : memref<1x128xi32, #tpu.memory_space<vmem>> -> memref<128xi32, #tpu.memory_space<vmem>>
    %dma_start3A_81 = arith.constant 0 : i32
    %dma_start3A_82 = arith.constant 0 : i32
    %dma_start3A_83 = tpu.memref_slice %arg3[%dma_start3A_81, %dma_start3A_82] : memref<1000000x64xf32, #tpu.memory_space<hbm>> -> memref<1000000x64xf32, #tpu.memory_space<hbm>>
    tpu.enqueue_indirect_dma source(%dma_start3A_83 : memref<1000000x64xf32, #tpu.memory_space<hbm>>) target(%dma_start3A_78 : memref<128x64xf32, #tpu.memory_space<vmem>>) offsets(%dma_start3A_80 : memref<128xi32, #tpu.memory_space<vmem>>) semaphore(%arg8 : memref<!tpu.dma_semaphore, #tpu.memory_space<semaphore_mem>>)
    %rem3A_84 = arith.constant 0 : i32
    %rem3A_85 = arith.constant 2 : i32
    %rem3A_86 = arith.remsi %rem3A_84, %rem3A_85 : i32
    %mul3A_87 = arith.constant 512 : i32
    %mul3A_88 = arith.muli %rem3A_86, %mul3A_87 : i32
    %add3A_89 = arith.constant 384 : i32
    %add3A_90 = arith.addi %mul3A_88, %add3A_89 : i32
    %dma_start3A_91 = arith.constant 0 : i32
    %dma_start3A_92 = arith.constant 384 : i32
    %dma_start3A_93 = arith.constant 0 : i32
    %dma_start3A_94 = tpu.memref_slice %arg6[%dma_start3A_92, %dma_start3A_93] : memref<512x64xf32, #tpu.memory_space<vmem>> -> memref<128x64xf32, #tpu.memory_space<vmem>>
    %dma_start3A_95 = tpu.memref_slice %arg5[%dma_start3A_91, %add3A_90] : memref<25x1024xi32, #tpu.memory_space<vmem>> -> memref<1x128xi32, #tpu.memory_space<vmem>>
    %dma_start3A_96 = tpu.memref_squeeze %dma_start3A_95 : memref<1x128xi32, #tpu.memory_space<vmem>> -> memref<128xi32, #tpu.memory_space<vmem>>
    %dma_start3A_97 = arith.constant 0 : i32
    %dma_start3A_98 = arith.constant 0 : i32
    %dma_start3A_99 = tpu.memref_slice %arg3[%dma_start3A_97, %dma_start3A_98] : memref<1000000x64xf32, #tpu.memory_space<hbm>> -> memref<1000000x64xf32, #tpu.memory_space<hbm>>
    tpu.enqueue_indirect_dma source(%dma_start3A_99 : memref<1000000x64xf32, #tpu.memory_space<hbm>>) target(%dma_start3A_94 : memref<128x64xf32, #tpu.memory_space<vmem>>) offsets(%dma_start3A_96 : memref<128xi32, #tpu.memory_space<vmem>>) semaphore(%arg8 : memref<!tpu.dma_semaphore, #tpu.memory_space<semaphore_mem>>)
    %scan3A = arith.constant 0 : i32
    %scan3A_100 = arith.constant 25 : i32
    %scan3A_101 = arith.addi %scan3A, %scan3A_100 : i32
    %scan3A_102 = arith.constant 1 : i32
    scf.for %scan3A_104 = %scan3A to %scan3A_101 step %scan3A_102  : i32 {
      %mul3A_105 = arith.constant 1 : i32
      %mul3A_106 = arith.muli %scan3A_104, %mul3A_105 : i32
      %add3A_107 = arith.constant 0 : i32
      %add3A_108 = arith.addi %add3A_107, %mul3A_106 : i32
      %mul3A_109 = arith.constant 2 : i32
      %mul3A_110 = arith.muli %mul3A_109, %add3A_108 : i32
      %add3A_111 = arith.constant 1 : i32
      %add3A_112 = arith.addi %mul3A_110, %add3A_111 : i32
      %jit3A_113 = arith.constant 2 : i32
      %div3A_114 = arith.divsi %add3A_112, %jit3A_113 : i32
      %sign3A_115 = arith.constant 0 : i32
      %sign3A_116 = arith.cmpi sgt, %add3A_112, %sign3A_115 : i32
      %sign3A_117 = arith.extui %sign3A_116 : i1 to i32
      %sign3A_118 = arith.constant 0 : i32
      %sign3A_119 = arith.cmpi slt, %add3A_112, %sign3A_118 : i32
      %sign3A_120 = arith.extui %sign3A_119 : i1 to i32
      %sign3A_121 = arith.subi %sign3A_117, %sign3A_120 : i32
      %sign3A_122 = arith.constant 0 : i32
      %sign3A_123 = arith.cmpi sgt, %jit3A_113, %sign3A_122 : i32
      %sign3A_124 = arith.extui %sign3A_123 : i1 to i32
      %sign3A_125 = arith.constant 0 : i32
      %sign3A_126 = arith.cmpi slt, %jit3A_113, %sign3A_125 : i32
      %sign3A_127 = arith.extui %sign3A_126 : i1 to i32
      %sign3A_128 = arith.subi %sign3A_124, %sign3A_127 : i32
      %ne3A_129 = arith.cmpi ne, %sign3A_121, %sign3A_128 : i32
      %rem3A_130 = arith.remsi %add3A_112, %jit3A_113 : i32
      %ne3A_131 = arith.constant 0 : i32
      %ne3A_132 = arith.cmpi ne, %rem3A_130, %ne3A_131 : i32
      %and3A_133 = arith.andi %ne3A_129, %ne3A_132 : i1
      %sub3A_134 = arith.constant 1 : i32
      %sub3A_135 = arith.subi %div3A_114, %sub3A_134 : i32
      %select_n3A_136 = arith.select %and3A_133, %sub3A_135, %div3A_114 : i32
      %rem3A_137 = arith.constant 2 : i32
      %rem3A_138 = arith.remsi %add3A_112, %rem3A_137 : i32
      %mul3A_139 = arith.constant 512 : i32
      %mul3A_140 = arith.muli %rem3A_138, %mul3A_139 : i32
      %add3A_141 = arith.constant 0 : i32
      %add3A_142 = arith.addi %mul3A_140, %add3A_141 : i32
      %dma_start3A_143 = arith.constant 0 : i32
      %dma_start3A_144 = arith.constant 0 : i32
      %dma_start3A_145 = tpu.memref_slice %arg7[%dma_start3A_143, %dma_start3A_144] : memref<512x64xf32, #tpu.memory_space<vmem>> -> memref<128x64xf32, #tpu.memory_space<vmem>>
      %dma_start3A_146 = tpu.memref_slice %arg5[%select_n3A_136, %add3A_142] : memref<25x1024xi32, #tpu.memory_space<vmem>> -> memref<1x128xi32, #tpu.memory_space<vmem>>
      %dma_start3A_147 = tpu.memref_squeeze %dma_start3A_146 : memref<1x128xi32, #tpu.memory_space<vmem>> -> memref<128xi32, #tpu.memory_space<vmem>>
      %dma_start3A_148 = arith.constant 0 : i32
      %dma_start3A_149 = arith.constant 0 : i32
      %dma_start3A_150 = tpu.memref_slice %arg3[%dma_start3A_148, %dma_start3A_149] : memref<1000000x64xf32, #tpu.memory_space<hbm>> -> memref<1000000x64xf32, #tpu.memory_space<hbm>>
      tpu.enqueue_indirect_dma source(%dma_start3A_150 : memref<1000000x64xf32, #tpu.memory_space<hbm>>) target(%dma_start3A_145 : memref<128x64xf32, #tpu.memory_space<vmem>>) offsets(%dma_start3A_147 : memref<128xi32, #tpu.memory_space<vmem>>) semaphore(%arg9 : memref<!tpu.dma_semaphore, #tpu.memory_space<semaphore_mem>>)
      %jit3A_151 = arith.constant 2 : i32
      %div3A_152 = arith.divsi %add3A_112, %jit3A_151 : i32
      %sign3A_153 = arith.constant 0 : i32
      %sign3A_154 = arith.cmpi sgt, %add3A_112, %sign3A_153 : i32
      %sign3A_155 = arith.extui %sign3A_154 : i1 to i32
      %sign3A_156 = arith.constant 0 : i32
      %sign3A_157 = arith.cmpi slt, %add3A_112, %sign3A_156 : i32
      %sign3A_158 = arith.extui %sign3A_157 : i1 to i32
      %sign3A_159 = arith.subi %sign3A_155, %sign3A_158 : i32
      %sign3A_160 = arith.constant 0 : i32
      %sign3A_161 = arith.cmpi sgt, %jit3A_151, %sign3A_160 : i32
      %sign3A_162 = arith.extui %sign3A_161 : i1 to i32
      %sign3A_163 = arith.constant 0 : i32
      %sign3A_164 = arith.cmpi slt, %jit3A_151, %sign3A_163 : i32
      %sign3A_165 = arith.extui %sign3A_164 : i1 to i32
      %sign3A_166 = arith.subi %sign3A_162, %sign3A_165 : i32
      %ne3A_167 = arith.cmpi ne, %sign3A_159, %sign3A_166 : i32
      %rem3A_168 = arith.remsi %add3A_112, %jit3A_151 : i32
      %ne3A_169 = arith.constant 0 : i32
      %ne3A_170 = arith.cmpi ne, %rem3A_168, %ne3A_169 : i32
      %and3A_171 = arith.andi %ne3A_167, %ne3A_170 : i1
      %sub3A_172 = arith.constant 1 : i32
      %sub3A_173 = arith.subi %div3A_152, %sub3A_172 : i32
      %select_n3A_174 = arith.select %and3A_171, %sub3A_173, %div3A_152 : i32
      %rem3A_175 = arith.constant 2 : i32
      %rem3A_176 = arith.remsi %add3A_112, %rem3A_175 : i32
      %mul3A_177 = arith.constant 512 : i32
      %mul3A_178 = arith.muli %rem3A_176, %mul3A_177 : i32
      %add3A_179 = arith.constant 128 : i32
      %add3A_180 = arith.addi %mul3A_178, %add3A_179 : i32
      %dma_start3A_181 = arith.constant 128 : i32
      %dma_start3A_182 = arith.constant 0 : i32
      %dma_start3A_183 = tpu.memref_slice %arg7[%dma_start3A_181, %dma_start3A_182] : memref<512x64xf32, #tpu.memory_space<vmem>> -> memref<128x64xf32, #tpu.memory_space<vmem>>
      %dma_start3A_184 = tpu.memref_slice %arg5[%select_n3A_174, %add3A_180] : memref<25x1024xi32, #tpu.memory_space<vmem>> -> memref<1x128xi32, #tpu.memory_space<vmem>>
      %dma_start3A_185 = tpu.memref_squeeze %dma_start3A_184 : memref<1x128xi32, #tpu.memory_space<vmem>> -> memref<128xi32, #tpu.memory_space<vmem>>
      %dma_start3A_186 = arith.constant 0 : i32
      %dma_start3A_187 = arith.constant 0 : i32
      %dma_start3A_188 = tpu.memref_slice %arg3[%dma_start3A_186, %dma_start3A_187] : memref<1000000x64xf32, #tpu.memory_space<hbm>> -> memref<1000000x64xf32, #tpu.memory_space<hbm>>
      tpu.enqueue_indirect_dma source(%dma_start3A_188 : memref<1000000x64xf32, #tpu.memory_space<hbm>>) target(%dma_start3A_183 : memref<128x64xf32, #tpu.memory_space<vmem>>) offsets(%dma_start3A_185 : memref<128xi32, #tpu.memory_space<vmem>>) semaphore(%arg9 : memref<!tpu.dma_semaphore, #tpu.memory_space<semaphore_mem>>)
      %jit3A_189 = arith.constant 2 : i32
      %div3A_190 = arith.divsi %add3A_112, %jit3A_189 : i32
      %sign3A_191 = arith.constant 0 : i32
      %sign3A_192 = arith.cmpi sgt, %add3A_112, %sign3A_191 : i32
      %sign3A_193 = arith.extui %sign3A_192 : i1 to i32
      %sign3A_194 = arith.constant 0 : i32
      %sign3A_195 = arith.cmpi slt, %add3A_112, %sign3A_194 : i32
      %sign3A_196 = arith.extui %sign3A_195 : i1 to i32
      %sign3A_197 = arith.subi %sign3A_193, %sign3A_196 : i32
      %sign3A_198 = arith.constant 0 : i32
      %sign3A_199 = arith.cmpi sgt, %jit3A_189, %sign3A_198 : i32
      %sign3A_200 = arith.extui %sign3A_199 : i1 to i32
      %sign3A_201 = arith.constant 0 : i32
      %sign3A_202 = arith.cmpi slt, %jit3A_189, %sign3A_201 : i32
      %sign3A_203 = arith.extui %sign3A_202 : i1 to i32
      %sign3A_204 = arith.subi %sign3A_200, %sign3A_203 : i32
      %ne3A_205 = arith.cmpi ne, %sign3A_197, %sign3A_204 : i32
      %rem3A_206 = arith.remsi %add3A_112, %jit3A_189 : i32
      %ne3A_207 = arith.constant 0 : i32
      %ne3A_208 = arith.cmpi ne, %rem3A_206, %ne3A_207 : i32
      %and3A_209 = arith.andi %ne3A_205, %ne3A_208 : i1
      %sub3A_210 = arith.constant 1 : i32
      %sub3A_211 = arith.subi %div3A_190, %sub3A_210 : i32
      %select_n3A_212 = arith.select %and3A_209, %sub3A_211, %div3A_190 : i32
      %rem3A_213 = arith.constant 2 : i32
      %rem3A_214 = arith.remsi %add3A_112, %rem3A_213 : i32
      %mul3A_215 = arith.constant 512 : i32
      %mul3A_216 = arith.muli %rem3A_214, %mul3A_215 : i32
      %add3A_217 = arith.constant 256 : i32
      %add3A_218 = arith.addi %mul3A_216, %add3A_217 : i32
      %dma_start3A_219 = arith.constant 256 : i32
      %dma_start3A_220 = arith.constant 0 : i32
      %dma_start3A_221 = tpu.memref_slice %arg7[%dma_start3A_219, %dma_start3A_220] : memref<512x64xf32, #tpu.memory_space<vmem>> -> memref<128x64xf32, #tpu.memory_space<vmem>>
      %dma_start3A_222 = tpu.memref_slice %arg5[%select_n3A_212, %add3A_218] : memref<25x1024xi32, #tpu.memory_space<vmem>> -> memref<1x128xi32, #tpu.memory_space<vmem>>
      %dma_start3A_223 = tpu.memref_squeeze %dma_start3A_222 : memref<1x128xi32, #tpu.memory_space<vmem>> -> memref<128xi32, #tpu.memory_space<vmem>>
      %dma_start3A_224 = arith.constant 0 : i32
      %dma_start3A_225 = arith.constant 0 : i32
      %dma_start3A_226 = tpu.memref_slice %arg3[%dma_start3A_224, %dma_start3A_225] : memref<1000000x64xf32, #tpu.memory_space<hbm>> -> memref<1000000x64xf32, #tpu.memory_space<hbm>>
      tpu.enqueue_indirect_dma source(%dma_start3A_226 : memref<1000000x64xf32, #tpu.memory_space<hbm>>) target(%dma_start3A_221 : memref<128x64xf32, #tpu.memory_space<vmem>>) offsets(%dma_start3A_223 : memref<128xi32, #tpu.memory_space<vmem>>) semaphore(%arg9 : memref<!tpu.dma_semaphore, #tpu.memory_space<semaphore_mem>>)
      %jit3A_227 = arith.constant 2 : i32
      %div3A_228 = arith.divsi %add3A_112, %jit3A_227 : i32
      %sign3A_229 = arith.constant 0 : i32
      %sign3A_230 = arith.cmpi sgt, %add3A_112, %sign3A_229 : i32
      %sign3A_231 = arith.extui %sign3A_230 : i1 to i32
      %sign3A_232 = arith.constant 0 : i32
      %sign3A_233 = arith.cmpi slt, %add3A_112, %sign3A_232 : i32
      %sign3A_234 = arith.extui %sign3A_233 : i1 to i32
      %sign3A_235 = arith.subi %sign3A_231, %sign3A_234 : i32
      %sign3A_236 = arith.constant 0 : i32
      %sign3A_237 = arith.cmpi sgt, %jit3A_227, %sign3A_236 : i32
      %sign3A_238 = arith.extui %sign3A_237 : i1 to i32
      %sign3A_239 = arith.constant 0 : i32
      %sign3A_240 = arith.cmpi slt, %jit3A_227, %sign3A_239 : i32
      %sign3A_241 = arith.extui %sign3A_240 : i1 to i32
      %sign3A_242 = arith.subi %sign3A_238, %sign3A_241 : i32
      %ne3A_243 = arith.cmpi ne, %sign3A_235, %sign3A_242 : i32
      %rem3A_244 = arith.remsi %add3A_112, %jit3A_227 : i32
      %ne3A_245 = arith.constant 0 : i32
      %ne3A_246 = arith.cmpi ne, %rem3A_244, %ne3A_245 : i32
      %and3A_247 = arith.andi %ne3A_243, %ne3A_246 : i1
      %sub3A_248 = arith.constant 1 : i32
      %sub3A_249 = arith.subi %div3A_228, %sub3A_248 : i32
      %select_n3A_250 = arith.select %and3A_247, %sub3A_249, %div3A_228 : i32
      %rem3A_251 = arith.constant 2 : i32
      %rem3A_252 = arith.remsi %add3A_112, %rem3A_251 : i32
      %mul3A_253 = arith.constant 512 : i32
      %mul3A_254 = arith.muli %rem3A_252, %mul3A_253 : i32
      %add3A_255 = arith.constant 384 : i32
      %add3A_256 = arith.addi %mul3A_254, %add3A_255 : i32
      %dma_start3A_257 = arith.constant 384 : i32
      %dma_start3A_258 = arith.constant 0 : i32
      %dma_start3A_259 = tpu.memref_slice %arg7[%dma_start3A_257, %dma_start3A_258] : memref<512x64xf32, #tpu.memory_space<vmem>> -> memref<128x64xf32, #tpu.memory_space<vmem>>
      %dma_start3A_260 = tpu.memref_slice %arg5[%select_n3A_250, %add3A_256] : memref<25x1024xi32, #tpu.memory_space<vmem>> -> memref<1x128xi32, #tpu.memory_space<vmem>>
      %dma_start3A_261 = tpu.memref_squeeze %dma_start3A_260 : memref<1x128xi32, #tpu.memory_space<vmem>> -> memref<128xi32, #tpu.memory_space<vmem>>
      %dma_start3A_262 = arith.constant 0 : i32
      %dma_start3A_263 = arith.constant 0 : i32
      %dma_start3A_264 = tpu.memref_slice %arg3[%dma_start3A_262, %dma_start3A_263] : memref<1000000x64xf32, #tpu.memory_space<hbm>> -> memref<1000000x64xf32, #tpu.memory_space<hbm>>
      tpu.enqueue_indirect_dma source(%dma_start3A_264 : memref<1000000x64xf32, #tpu.memory_space<hbm>>) target(%dma_start3A_259 : memref<128x64xf32, #tpu.memory_space<vmem>>) offsets(%dma_start3A_261 : memref<128xi32, #tpu.memory_space<vmem>>) semaphore(%arg9 : memref<!tpu.dma_semaphore, #tpu.memory_space<semaphore_mem>>)
      %mul3A_265 = arith.constant 2 : i32
      %mul3A_266 = arith.muli %mul3A_265, %add3A_108 : i32
      %jit3A_267 = arith.constant 2 : i32
      %div3A_268 = arith.divsi %mul3A_266, %jit3A_267 : i32
      %sign3A_269 = arith.constant 0 : i32
      %sign3A_270 = arith.cmpi sgt, %mul3A_266, %sign3A_269 : i32
      %sign3A_271 = arith.extui %sign3A_270 : i1 to i32
      %sign3A_272 = arith.constant 0 : i32
      %sign3A_273 = arith.cmpi slt, %mul3A_266, %sign3A_272 : i32
      %sign3A_274 = arith.extui %sign3A_273 : i1 to i32
      %sign3A_275 = arith.subi %sign3A_271, %sign3A_274 : i32
      %sign3A_276 = arith.constant 0 : i32
      %sign3A_277 = arith.cmpi sgt, %jit3A_267, %sign3A_276 : i32
      %sign3A_278 = arith.extui %sign3A_277 : i1 to i32
      %sign3A_279 = arith.constant 0 : i32
      %sign3A_280 = arith.cmpi slt, %jit3A_267, %sign3A_279 : i32
      %sign3A_281 = arith.extui %sign3A_280 : i1 to i32
      %sign3A_282 = arith.subi %sign3A_278, %sign3A_281 : i32
      %ne3A_283 = arith.cmpi ne, %sign3A_275, %sign3A_282 : i32
      %rem3A_284 = arith.remsi %mul3A_266, %jit3A_267 : i32
      %ne3A_285 = arith.constant 0 : i32
      %ne3A_286 = arith.cmpi ne, %rem3A_284, %ne3A_285 : i32
      %and3A_287 = arith.andi %ne3A_283, %ne3A_286 : i1
      %sub3A_288 = arith.constant 1 : i32
      %sub3A_289 = arith.subi %div3A_268, %sub3A_288 : i32
      %select_n3A_290 = arith.select %and3A_287, %sub3A_289, %div3A_268 : i32
      %add3A_291 = arith.addi %mul3A_18, %select_n3A_290 : i32
      %rem3A_292 = arith.constant 2 : i32
      %rem3A_293 = arith.remsi %mul3A_266, %rem3A_292 : i32
      %mul3A_294 = arith.constant 4 : i32
      %mul3A_295 = arith.muli %rem3A_293, %mul3A_294 : i32
      %add3A_296 = arith.addi %mul3A_34, %mul3A_295 : i32
      %dma_wait3A = arith.constant 0 : i32
      %dma_wait3A_297 = arith.constant 0 : i32
      %dma_wait3A_298 = tpu.memref_slice %arg5[%dma_wait3A, %dma_wait3A_297] : memref<25x1024xi32, #tpu.memory_space<vmem>> -> memref<1x512xi32, #tpu.memory_space<vmem>>
      %dma_wait3A_299 = tpu.memref_squeeze %dma_wait3A_298 : memref<1x512xi32, #tpu.memory_space<vmem>> -> memref<512xi32, #tpu.memory_space<vmem>>
      %dma_wait3A_300 = arith.constant 0 : i32
      %dma_wait3A_301 = arith.constant 0 : i32
      %dma_wait3A_302 = tpu.memref_slice %arg3[%dma_wait3A_300, %dma_wait3A_301] : memref<1000000x64xf32, #tpu.memory_space<hbm>> -> memref<1000000x64xf32, #tpu.memory_space<hbm>>
      tpu.wait_indirect_dma semaphore(%arg8 : memref<!tpu.dma_semaphore, #tpu.memory_space<semaphore_mem>>) src(%dma_wait3A_302 : memref<1000000x64xf32, #tpu.memory_space<hbm>>) dst(%arg6 : memref<512x64xf32, #tpu.memory_space<vmem>>)
      %scan3A_303 = arith.constant 0 : i32
      %scan3A_304 = arith.constant 512 : i32
      %scan3A_305 = arith.addi %scan3A_303, %scan3A_304 : i32
      %scan3A_306 = arith.constant 1 : i32
      scf.for %scan3A_389 = %scan3A_303 to %scan3A_305 step %scan3A_306  : i32 {
        %mul3A_390 = arith.constant 1 : i32
        %mul3A_391 = arith.muli %scan3A_389, %mul3A_390 : i32
        %add3A_392 = arith.constant 0 : i32
        %add3A_393 = arith.addi %add3A_392, %mul3A_391 : i32
        %get3A = arith.index_cast %add3A_393 : i32 to index
        %get3A_394 = arith.constant 0 : index
        %get3A_395 = tpu.vector_load %arg6[%get3A, %get3A_394] {strides = array<i32>} : memref<512x64xf32, #tpu.memory_space<vmem>>, vector<1x16xf32>,
        %get3A_396 = vector.shape_cast %get3A_395 : vector<1x16xf32> to vector<16xf32>
        %mul3A_397 = arith.constant 8.000000e+00 : f32
        %mul3A_398 = vector.broadcast %mul3A_397 : f32 to vector<16xf32>
        %mul3A_399 = arith.mulf %get3A_396, %mul3A_398 : vector<16xf32>
        %swap3A = arith.index_cast %add3A_393 : i32 to index
        %swap3A_400 = arith.constant 0 : index
        %swap3A_401 = tpu.vector_load %arg6[%swap3A, %swap3A_400] {strides = array<i32>} : memref<512x64xf32, #tpu.memory_space<vmem>>, vector<1x16xf32>,
        %swap3A_402 = vector.shape_cast %swap3A_401 : vector<1x16xf32> to vector<16xf32>
        %swap3A_403 = vector.shape_cast %mul3A_399 : vector<16xf32> to vector<1x16xf32>
        tpu.vector_store %arg6[%swap3A, %swap3A_400], %swap3A_403 {strides = array<i32>} : memref<512x64xf32, #tpu.memory_space<vmem>>, vector<1x16xf32>,
        %get3A_404 = arith.index_cast %add3A_393 : i32 to index
        %get3A_405 = arith.constant 16 : index
        %get3A_406 = tpu.vector_load %arg6[%get3A_404, %get3A_405] {strides = array<i32>} : memref<512x64xf32, #tpu.memory_space<vmem>>, vector<1x16xf32>,
        %get3A_407 = vector.shape_cast %get3A_406 : vector<1x16xf32> to vector<16xf32>
        %mul3A_408 = arith.constant 8.000000e+00 : f32
        %mul3A_409 = vector.broadcast %mul3A_408 : f32 to vector<16xf32>
        %mul3A_410 = arith.mulf %get3A_407, %mul3A_409 : vector<16xf32>
        %swap3A_411 = arith.index_cast %add3A_393 : i32 to index
        %swap3A_412 = arith.constant 16 : index
        %swap3A_413 = tpu.vector_load %arg6[%swap3A_411, %swap3A_412] {strides = array<i32>} : memref<512x64xf32, #tpu.memory_space<vmem>>, vector<1x16xf32>,
        %swap3A_414 = vector.shape_cast %swap3A_413 : vector<1x16xf32> to vector<16xf32>
        %swap3A_415 = vector.shape_cast %mul3A_410 : vector<16xf32> to vector<1x16xf32>
        tpu.vector_store %arg6[%swap3A_411, %swap3A_412], %swap3A_415 {strides = array<i32>} : memref<512x64xf32, #tpu.memory_space<vmem>>, vector<1x16xf32>,
        %get3A_416 = arith.index_cast %add3A_393 : i32 to index
        %get3A_417 = arith.constant 32 : index
        %get3A_418 = tpu.vector_load %arg6[%get3A_416, %get3A_417] {strides = array<i32>} : memref<512x64xf32, #tpu.memory_space<vmem>>, vector<1x16xf32>,
        %get3A_419 = vector.shape_cast %get3A_418 : vector<1x16xf32> to vector<16xf32>
        %mul3A_420 = arith.constant 8.000000e+00 : f32
        %mul3A_421 = vector.broadcast %mul3A_420 : f32 to vector<16xf32>
        %mul3A_422 = arith.mulf %get3A_419, %mul3A_421 : vector<16xf32>
        %swap3A_423 = arith.index_cast %add3A_393 : i32 to index
        %swap3A_424 = arith.constant 32 : index
        %swap3A_425 = tpu.vector_load %arg6[%swap3A_423, %swap3A_424] {strides = array<i32>} : memref<512x64xf32, #tpu.memory_space<vmem>>, vector<1x16xf32>,
        %swap3A_426 = vector.shape_cast %swap3A_425 : vector<1x16xf32> to vector<16xf32>
        %swap3A_427 = vector.shape_cast %mul3A_422 : vector<16xf32> to vector<1x16xf32>
        tpu.vector_store %arg6[%swap3A_423, %swap3A_424], %swap3A_427 {strides = array<i32>} : memref<512x64xf32, #tpu.memory_space<vmem>>, vector<1x16xf32>,
        %get3A_428 = arith.index_cast %add3A_393 : i32 to index
        %get3A_429 = arith.constant 48 : index
        %get3A_430 = tpu.vector_load %arg6[%get3A_428, %get3A_429] {strides = array<i32>} : memref<512x64xf32, #tpu.memory_space<vmem>>, vector<1x16xf32>,
        %get3A_431 = vector.shape_cast %get3A_430 : vector<1x16xf32> to vector<16xf32>
        %mul3A_432 = arith.constant 8.000000e+00 : f32
        %mul3A_433 = vector.broadcast %mul3A_432 : f32 to vector<16xf32>
        %mul3A_434 = arith.mulf %get3A_431, %mul3A_433 : vector<16xf32>
        %swap3A_435 = arith.index_cast %add3A_393 : i32 to index
        %swap3A_436 = arith.constant 48 : index
        %swap3A_437 = tpu.vector_load %arg6[%swap3A_435, %swap3A_436] {strides = array<i32>} : memref<512x64xf32, #tpu.memory_space<vmem>>, vector<1x16xf32>,
        %swap3A_438 = vector.shape_cast %swap3A_437 : vector<1x16xf32> to vector<16xf32>
        %swap3A_439 = vector.shape_cast %mul3A_434 : vector<16xf32> to vector<1x16xf32>
        tpu.vector_store %arg6[%swap3A_435, %swap3A_436], %swap3A_439 {strides = array<i32>} : memref<512x64xf32, #tpu.memory_space<vmem>>, vector<1x16xf32>,
      }
      %scan3A_307 = arith.constant 512 : i32
      %add3A_308 = arith.constant 0 : i32
      %add3A_309 = arith.addi %add3A_296, %add3A_308 : i32
      %mul3A_310 = arith.constant 128 : i32
      %mul3A_311 = arith.muli %add3A_309, %mul3A_310 : i32
      "tpu.region"() ({
        %run_scoped3A = tpu.sem_alloc : memref<!tpu.dma_semaphore, #tpu.memory_space<semaphore_mem>>
        %dma_start3A_389 = arith.constant 0 : i32
        %dma_start3A_390 = arith.constant 0 : i32
        %dma_start3A_391 = tpu.memref_slice %arg6[%dma_start3A_389, %dma_start3A_390] : memref<512x64xf32, #tpu.memory_space<vmem>> -> memref<128x64xf32, #tpu.memory_space<vmem>>
        %dma_start3A_392 = arith.constant 0 : i32
        %dma_start3A_393 = tpu.memref_slice %arg4[%mul3A_311, %add3A_291, %dma_start3A_392] : memref<4096x200x64xf32, #tpu.memory_space<hbm>> -> memref<128x1x64xf32, #tpu.memory_space<hbm>>
        %dma_start3A_394 = tpu.memref_squeeze %dma_start3A_393 : memref<128x1x64xf32, #tpu.memory_space<hbm>> -> memref<128x64xf32, #tpu.memory_space<hbm>>
        %dma_start3A_395 = arith.constant 0 : i32
        %dma_start3A_396 = tpu.memref_slice %arg4[%mul3A_311, %add3A_291, %dma_start3A_395] : memref<4096x200x64xf32, #tpu.memory_space<hbm>> -> memref<128x1x64xf32, #tpu.memory_space<hbm>>
        %dma_start3A_397 = tpu.memref_squeeze %dma_start3A_396 : memref<128x1x64xf32, #tpu.memory_space<hbm>> -> memref<128x64xf32, #tpu.memory_space<hbm>>
        %dma_start3A_398 = arith.constant 0 : i32
        %dma_start3A_399 = arith.constant 0 : i32
        %dma_start3A_400 = tpu.memref_slice %arg6[%dma_start3A_398, %dma_start3A_399] : memref<512x64xf32, #tpu.memory_space<vmem>> -> memref<128x64xf32, #tpu.memory_space<vmem>>
        tpu.enqueue_dma source(%dma_start3A_400 : memref<128x64xf32, #tpu.memory_space<vmem>>) target(%dma_start3A_397 : memref<128x64xf32, #tpu.memory_space<hbm>>) target_semaphore(%run_scoped3A : memref<!tpu.dma_semaphore, #tpu.memory_space<semaphore_mem>>)
        %dma_wait3A_401 = arith.constant 0 : i32
        %dma_wait3A_402 = arith.constant 0 : i32
        %dma_wait3A_403 = tpu.memref_slice %arg6[%dma_wait3A_401, %dma_wait3A_402] : memref<512x64xf32, #tpu.memory_space<vmem>> -> memref<128x64xf32, #tpu.memory_space<vmem>>
        %dma_wait3A_404 = arith.constant 0 : i32
        %dma_wait3A_405 = tpu.memref_slice %arg4[%mul3A_311, %add3A_291, %dma_wait3A_404] : memref<4096x200x64xf32, #tpu.memory_space<hbm>> -> memref<128x1x64xf32, #tpu.memory_space<hbm>>
        %dma_wait3A_406 = tpu.memref_squeeze %dma_wait3A_405 : memref<128x1x64xf32, #tpu.memory_space<hbm>> -> memref<128x64xf32, #tpu.memory_space<hbm>>
        %dma_wait3A_407 = arith.constant 0 : i32
        %dma_wait3A_408 = tpu.memref_slice %arg4[%mul3A_311, %add3A_291, %dma_wait3A_407] : memref<4096x200x64xf32, #tpu.memory_space<hbm>> -> memref<128x1x64xf32, #tpu.memory_space<hbm>>
        %dma_wait3A_409 = tpu.memref_squeeze %dma_wait3A_408 : memref<128x1x64xf32, #tpu.memory_space<hbm>> -> memref<128x64xf32, #tpu.memory_space<hbm>>
        %dma_wait3A_410 = arith.constant 0 : i32
        %dma_wait3A_411 = arith.constant 0 : i32
        %dma_wait3A_412 = tpu.memref_slice %arg6[%dma_wait3A_410, %dma_wait3A_411] : memref<512x64xf32, #tpu.memory_space<vmem>> -> memref<128x64xf32, #tpu.memory_space<vmem>>
        tpu.wait_dma2 semaphore(%run_scoped3A : memref<!tpu.dma_semaphore, #tpu.memory_space<semaphore_mem>>) src(%dma_wait3A_412 : memref<128x64xf32, #tpu.memory_space<vmem>>) dst(%dma_wait3A_409 : memref<128x64xf32, #tpu.memory_space<hbm>>)
        tpu.yield
      }) : () -> ()
      %add3A_312 = arith.constant 1 : i32
      %add3A_313 = arith.addi %add3A_296, %add3A_312 : i32
      %mul3A_314 = arith.constant 128 : i32
      %mul3A_315 = arith.muli %add3A_313, %mul3A_314 : i32
      "tpu.region"() ({
        %run_scoped3A = tpu.sem_alloc : memref<!tpu.dma_semaphore, #tpu.memory_space<semaphore_mem>>
        %dma_start3A_389 = arith.constant 128 : i32
        %dma_start3A_390 = arith.constant 0 : i32
        %dma_start3A_391 = tpu.memref_slice %arg6[%dma_start3A_389, %dma_start3A_390] : memref<512x64xf32, #tpu.memory_space<vmem>> -> memref<128x64xf32, #tpu.memory_space<vmem>>
        %dma_start3A_392 = arith.constant 0 : i32
        %dma_start3A_393 = tpu.memref_slice %arg4[%mul3A_315, %add3A_291, %dma_start3A_392] : memref<4096x200x64xf32, #tpu.memory_space<hbm>> -> memref<128x1x64xf32, #tpu.memory_space<hbm>>
        %dma_start3A_394 = tpu.memref_squeeze %dma_start3A_393 : memref<128x1x64xf32, #tpu.memory_space<hbm>> -> memref<128x64xf32, #tpu.memory_space<hbm>>
        %dma_start3A_395 = arith.constant 0 : i32
        %dma_start3A_396 = tpu.memref_slice %arg4[%mul3A_315, %add3A_291, %dma_start3A_395] : memref<4096x200x64xf32, #tpu.memory_space<hbm>> -> memref<128x1x64xf32, #tpu.memory_space<hbm>>
        %dma_start3A_397 = tpu.memref_squeeze %dma_start3A_396 : memref<128x1x64xf32, #tpu.memory_space<hbm>> -> memref<128x64xf32, #tpu.memory_space<hbm>>
        %dma_start3A_398 = arith.constant 128 : i32
        %dma_start3A_399 = arith.constant 0 : i32
        %dma_start3A_400 = tpu.memref_slice %arg6[%dma_start3A_398, %dma_start3A_399] : memref<512x64xf32, #tpu.memory_space<vmem>> -> memref<128x64xf32, #tpu.memory_space<vmem>>
        tpu.enqueue_dma source(%dma_start3A_400 : memref<128x64xf32, #tpu.memory_space<vmem>>) target(%dma_start3A_397 : memref<128x64xf32, #tpu.memory_space<hbm>>) target_semaphore(%run_scoped3A : memref<!tpu.dma_semaphore, #tpu.memory_space<semaphore_mem>>)
        %dma_wait3A_401 = arith.constant 128 : i32
        %dma_wait3A_402 = arith.constant 0 : i32
        %dma_wait3A_403 = tpu.memref_slice %arg6[%dma_wait3A_401, %dma_wait3A_402] : memref<512x64xf32, #tpu.memory_space<vmem>> -> memref<128x64xf32, #tpu.memory_space<vmem>>
        %dma_wait3A_404 = arith.constant 0 : i32
        %dma_wait3A_405 = tpu.memref_slice %arg4[%mul3A_315, %add3A_291, %dma_wait3A_404] : memref<4096x200x64xf32, #tpu.memory_space<hbm>> -> memref<128x1x64xf32, #tpu.memory_space<hbm>>
        %dma_wait3A_406 = tpu.memref_squeeze %dma_wait3A_405 : memref<128x1x64xf32, #tpu.memory_space<hbm>> -> memref<128x64xf32, #tpu.memory_space<hbm>>
        %dma_wait3A_407 = arith.constant 0 : i32
        %dma_wait3A_408 = tpu.memref_slice %arg4[%mul3A_315, %add3A_291, %dma_wait3A_407] : memref<4096x200x64xf32, #tpu.memory_space<hbm>> -> memref<128x1x64xf32, #tpu.memory_space<hbm>>
        %dma_wait3A_409 = tpu.memref_squeeze %dma_wait3A_408 : memref<128x1x64xf32, #tpu.memory_space<hbm>> -> memref<128x64xf32, #tpu.memory_space<hbm>>
        %dma_wait3A_410 = arith.constant 128 : i32
        %dma_wait3A_411 = arith.constant 0 : i32
        %dma_wait3A_412 = tpu.memref_slice %arg6[%dma_wait3A_410, %dma_wait3A_411] : memref<512x64xf32, #tpu.memory_space<vmem>> -> memref<128x64xf32, #tpu.memory_space<vmem>>
        tpu.wait_dma2 semaphore(%run_scoped3A : memref<!tpu.dma_semaphore, #tpu.memory_space<semaphore_mem>>) src(%dma_wait3A_412 : memref<128x64xf32, #tpu.memory_space<vmem>>) dst(%dma_wait3A_409 : memref<128x64xf32, #tpu.memory_space<hbm>>)
        tpu.yield
      }) : () -> ()
      %add3A_316 = arith.constant 2 : i32
      %add3A_317 = arith.addi %add3A_296, %add3A_316 : i32
      %mul3A_318 = arith.constant 128 : i32
      %mul3A_319 = arith.muli %add3A_317, %mul3A_318 : i32
      "tpu.region"() ({
        %run_scoped3A = tpu.sem_alloc : memref<!tpu.dma_semaphore, #tpu.memory_space<semaphore_mem>>
        %dma_start3A_389 = arith.constant 256 : i32
        %dma_start3A_390 = arith.constant 0 : i32
        %dma_start3A_391 = tpu.memref_slice %arg6[%dma_start3A_389, %dma_start3A_390] : memref<512x64xf32, #tpu.memory_space<vmem>> -> memref<128x64xf32, #tpu.memory_space<vmem>>
        %dma_start3A_392 = arith.constant 0 : i32
        %dma_start3A_393 = tpu.memref_slice %arg4[%mul3A_319, %add3A_291, %dma_start3A_392] : memref<4096x200x64xf32, #tpu.memory_space<hbm>> -> memref<128x1x64xf32, #tpu.memory_space<hbm>>
        %dma_start3A_394 = tpu.memref_squeeze %dma_start3A_393 : memref<128x1x64xf32, #tpu.memory_space<hbm>> -> memref<128x64xf32, #tpu.memory_space<hbm>>
        %dma_start3A_395 = arith.constant 0 : i32
        %dma_start3A_396 = tpu.memref_slice %arg4[%mul3A_319, %add3A_291, %dma_start3A_395] : memref<4096x200x64xf32, #tpu.memory_space<hbm>> -> memref<128x1x64xf32, #tpu.memory_space<hbm>>
        %dma_start3A_397 = tpu.memref_squeeze %dma_start3A_396 : memref<128x1x64xf32, #tpu.memory_space<hbm>> -> memref<128x64xf32, #tpu.memory_space<hbm>>
        %dma_start3A_398 = arith.constant 256 : i32
        %dma_start3A_399 = arith.constant 0 : i32
        %dma_start3A_400 = tpu.memref_slice %arg6[%dma_start3A_398, %dma_start3A_399] : memref<512x64xf32, #tpu.memory_space<vmem>> -> memref<128x64xf32, #tpu.memory_space<vmem>>
        tpu.enqueue_dma source(%dma_start3A_400 : memref<128x64xf32, #tpu.memory_space<vmem>>) target(%dma_start3A_397 : memref<128x64xf32, #tpu.memory_space<hbm>>) target_semaphore(%run_scoped3A : memref<!tpu.dma_semaphore, #tpu.memory_space<semaphore_mem>>)
        %dma_wait3A_401 = arith.constant 256 : i32
        %dma_wait3A_402 = arith.constant 0 : i32
        %dma_wait3A_403 = tpu.memref_slice %arg6[%dma_wait3A_401, %dma_wait3A_402] : memref<512x64xf32, #tpu.memory_space<vmem>> -> memref<128x64xf32, #tpu.memory_space<vmem>>
        %dma_wait3A_404 = arith.constant 0 : i32
        %dma_wait3A_405 = tpu.memref_slice %arg4[%mul3A_319, %add3A_291, %dma_wait3A_404] : memref<4096x200x64xf32, #tpu.memory_space<hbm>> -> memref<128x1x64xf32, #tpu.memory_space<hbm>>
        %dma_wait3A_406 = tpu.memref_squeeze %dma_wait3A_405 : memref<128x1x64xf32, #tpu.memory_space<hbm>> -> memref<128x64xf32, #tpu.memory_space<hbm>>
        %dma_wait3A_407 = arith.constant 0 : i32
        %dma_wait3A_408 = tpu.memref_slice %arg4[%mul3A_319, %add3A_291, %dma_wait3A_407] : memref<4096x200x64xf32, #tpu.memory_space<hbm>> -> memref<128x1x64xf32, #tpu.memory_space<hbm>>
        %dma_wait3A_409 = tpu.memref_squeeze %dma_wait3A_408 : memref<128x1x64xf32, #tpu.memory_space<hbm>> -> memref<128x64xf32, #tpu.memory_space<hbm>>
        %dma_wait3A_410 = arith.constant 256 : i32
        %dma_wait3A_411 = arith.constant 0 : i32
        %dma_wait3A_412 = tpu.memref_slice %arg6[%dma_wait3A_410, %dma_wait3A_411] : memref<512x64xf32, #tpu.memory_space<vmem>> -> memref<128x64xf32, #tpu.memory_space<vmem>>
        tpu.wait_dma2 semaphore(%run_scoped3A : memref<!tpu.dma_semaphore, #tpu.memory_space<semaphore_mem>>) src(%dma_wait3A_412 : memref<128x64xf32, #tpu.memory_space<vmem>>) dst(%dma_wait3A_409 : memref<128x64xf32, #tpu.memory_space<hbm>>)
        tpu.yield
      }) : () -> ()
      %add3A_320 = arith.constant 3 : i32
      %add3A_321 = arith.addi %add3A_296, %add3A_320 : i32
      %mul3A_322 = arith.constant 128 : i32
      %mul3A_323 = arith.muli %add3A_321, %mul3A_322 : i32
      "tpu.region"() ({
        %run_scoped3A = tpu.sem_alloc : memref<!tpu.dma_semaphore, #tpu.memory_space<semaphore_mem>>
        %dma_start3A_389 = arith.constant 384 : i32
        %dma_start3A_390 = arith.constant 0 : i32
        %dma_start3A_391 = tpu.memref_slice %arg6[%dma_start3A_389, %dma_start3A_390] : memref<512x64xf32, #tpu.memory_space<vmem>> -> memref<128x64xf32, #tpu.memory_space<vmem>>
        %dma_start3A_392 = arith.constant 0 : i32
        %dma_start3A_393 = tpu.memref_slice %arg4[%mul3A_323, %add3A_291, %dma_start3A_392] : memref<4096x200x64xf32, #tpu.memory_space<hbm>> -> memref<128x1x64xf32, #tpu.memory_space<hbm>>
        %dma_start3A_394 = tpu.memref_squeeze %dma_start3A_393 : memref<128x1x64xf32, #tpu.memory_space<hbm>> -> memref<128x64xf32, #tpu.memory_space<hbm>>
        %dma_start3A_395 = arith.constant 0 : i32
        %dma_start3A_396 = tpu.memref_slice %arg4[%mul3A_323, %add3A_291, %dma_start3A_395] : memref<4096x200x64xf32, #tpu.memory_space<hbm>> -> memref<128x1x64xf32, #tpu.memory_space<hbm>>
        %dma_start3A_397 = tpu.memref_squeeze %dma_start3A_396 : memref<128x1x64xf32, #tpu.memory_space<hbm>> -> memref<128x64xf32, #tpu.memory_space<hbm>>
        %dma_start3A_398 = arith.constant 384 : i32
        %dma_start3A_399 = arith.constant 0 : i32
        %dma_start3A_400 = tpu.memref_slice %arg6[%dma_start3A_398, %dma_start3A_399] : memref<512x64xf32, #tpu.memory_space<vmem>> -> memref<128x64xf32, #tpu.memory_space<vmem>>
        tpu.enqueue_dma source(%dma_start3A_400 : memref<128x64xf32, #tpu.memory_space<vmem>>) target(%dma_start3A_397 : memref<128x64xf32, #tpu.memory_space<hbm>>) target_semaphore(%run_scoped3A : memref<!tpu.dma_semaphore, #tpu.memory_space<semaphore_mem>>)
        %dma_wait3A_401 = arith.constant 384 : i32
        %dma_wait3A_402 = arith.constant 0 : i32
        %dma_wait3A_403 = tpu.memref_slice %arg6[%dma_wait3A_401, %dma_wait3A_402] : memref<512x64xf32, #tpu.memory_space<vmem>> -> memref<128x64xf32, #tpu.memory_space<vmem>>
        %dma_wait3A_404 = arith.constant 0 : i32
        %dma_wait3A_405 = tpu.memref_slice %arg4[%mul3A_323, %add3A_291, %dma_wait3A_404] : memref<4096x200x64xf32, #tpu.memory_space<hbm>> -> memref<128x1x64xf32, #tpu.memory_space<hbm>>
        %dma_wait3A_406 = tpu.memref_squeeze %dma_wait3A_405 : memref<128x1x64xf32, #tpu.memory_space<hbm>> -> memref<128x64xf32, #tpu.memory_space<hbm>>
        %dma_wait3A_407 = arith.constant 0 : i32
        %dma_wait3A_408 = tpu.memref_slice %arg4[%mul3A_323, %add3A_291, %dma_wait3A_407] : memref<4096x200x64xf32, #tpu.memory_space<hbm>> -> memref<128x1x64xf32, #tpu.memory_space<hbm>>
        %dma_wait3A_409 = tpu.memref_squeeze %dma_wait3A_408 : memref<128x1x64xf32, #tpu.memory_space<hbm>> -> memref<128x64xf32, #tpu.memory_space<hbm>>
        %dma_wait3A_410 = arith.constant 384 : i32
        %dma_wait3A_411 = arith.constant 0 : i32
        %dma_wait3A_412 = tpu.memref_slice %arg6[%dma_wait3A_410, %dma_wait3A_411] : memref<512x64xf32, #tpu.memory_space<vmem>> -> memref<128x64xf32, #tpu.memory_space<vmem>>
        tpu.wait_dma2 semaphore(%run_scoped3A : memref<!tpu.dma_semaphore, #tpu.memory_space<semaphore_mem>>) src(%dma_wait3A_412 : memref<128x64xf32, #tpu.memory_space<vmem>>) dst(%dma_wait3A_409 : memref<128x64xf32, #tpu.memory_space<hbm>>)
        tpu.yield
      }) : () -> ()
      %lt3A_324 = arith.constant 24 : i32
      %lt3A_325 = arith.cmpi slt, %add3A_108, %lt3A_324 : i32
      %convert_element_type3A = arith.extui %lt3A_325 : i1 to i32
      %cond3A = arith.constant 0 : i32
      %cond3A_326 = arith.cmpi ne, %convert_element_type3A, %cond3A : i32
      scf.if %cond3A_326 {
        %mul3A_389 = arith.constant 2 : i32
        %mul3A_390 = arith.muli %mul3A_389, %add3A_108 : i32
        %add3A_391 = arith.constant 2 : i32
        %add3A_392 = arith.addi %mul3A_390, %add3A_391 : i32
        %jit3A_393 = arith.constant 2 : i32
        %div3A_394 = arith.divsi %add3A_392, %jit3A_393 : i32
        %sign3A_395 = arith.constant 0 : i32
        %sign3A_396 = arith.cmpi sgt, %add3A_392, %sign3A_395 : i32
        %sign3A_397 = arith.extui %sign3A_396 : i1 to i32
        %sign3A_398 = arith.constant 0 : i32
        %sign3A_399 = arith.cmpi slt, %add3A_392, %sign3A_398 : i32
        %sign3A_400 = arith.extui %sign3A_399 : i1 to i32
        %sign3A_401 = arith.subi %sign3A_397, %sign3A_400 : i32
        %sign3A_402 = arith.constant 0 : i32
        %sign3A_403 = arith.cmpi sgt, %jit3A_393, %sign3A_402 : i32
        %sign3A_404 = arith.extui %sign3A_403 : i1 to i32
        %sign3A_405 = arith.constant 0 : i32
        %sign3A_406 = arith.cmpi slt, %jit3A_393, %sign3A_405 : i32
        %sign3A_407 = arith.extui %sign3A_406 : i1 to i32
        %sign3A_408 = arith.subi %sign3A_404, %sign3A_407 : i32
        %ne3A_409 = arith.cmpi ne, %sign3A_401, %sign3A_408 : i32
        %rem3A_410 = arith.remsi %add3A_392, %jit3A_393 : i32
        %ne3A_411 = arith.constant 0 : i32
        %ne3A_412 = arith.cmpi ne, %rem3A_410, %ne3A_411 : i32
        %and3A_413 = arith.andi %ne3A_409, %ne3A_412 : i1
        %sub3A_414 = arith.constant 1 : i32
        %sub3A_415 = arith.subi %div3A_394, %sub3A_414 : i32
        %select_n3A_416 = arith.select %and3A_413, %sub3A_415, %div3A_394 : i32
        %rem3A_417 = arith.constant 2 : i32
        %rem3A_418 = arith.remsi %add3A_392, %rem3A_417 : i32
        %mul3A_419 = arith.constant 512 : i32
        %mul3A_420 = arith.muli %rem3A_418, %mul3A_419 : i32
        %add3A_421 = arith.constant 0 : i32
        %add3A_422 = arith.addi %mul3A_420, %add3A_421 : i32
        %dma_start3A_423 = arith.constant 0 : i32
        %dma_start3A_424 = arith.constant 0 : i32
        %dma_start3A_425 = tpu.memref_slice %arg6[%dma_start3A_423, %dma_start3A_424] : memref<512x64xf32, #tpu.memory_space<vmem>> -> memref<128x64xf32, #tpu.memory_space<vmem>>
        %dma_start3A_426 = tpu.memref_slice %arg5[%select_n3A_416, %add3A_422] : memref<25x1024xi32, #tpu.memory_space<vmem>> -> memref<1x128xi32, #tpu.memory_space<vmem>>
        %dma_start3A_427 = tpu.memref_squeeze %dma_start3A_426 : memref<1x128xi32, #tpu.memory_space<vmem>> -> memref<128xi32, #tpu.memory_space<vmem>>
        %dma_start3A_428 = arith.constant 0 : i32
        %dma_start3A_429 = arith.constant 0 : i32
        %dma_start3A_430 = tpu.memref_slice %arg3[%dma_start3A_428, %dma_start3A_429] : memref<1000000x64xf32, #tpu.memory_space<hbm>> -> memref<1000000x64xf32, #tpu.memory_space<hbm>>
        tpu.enqueue_indirect_dma source(%dma_start3A_430 : memref<1000000x64xf32, #tpu.memory_space<hbm>>) target(%dma_start3A_425 : memref<128x64xf32, #tpu.memory_space<vmem>>) offsets(%dma_start3A_427 : memref<128xi32, #tpu.memory_space<vmem>>) semaphore(%arg8 : memref<!tpu.dma_semaphore, #tpu.memory_space<semaphore_mem>>)
        %jit3A_431 = arith.constant 2 : i32
        %div3A_432 = arith.divsi %add3A_392, %jit3A_431 : i32
        %sign3A_433 = arith.constant 0 : i32
        %sign3A_434 = arith.cmpi sgt, %add3A_392, %sign3A_433 : i32
        %sign3A_435 = arith.extui %sign3A_434 : i1 to i32
        %sign3A_436 = arith.constant 0 : i32
        %sign3A_437 = arith.cmpi slt, %add3A_392, %sign3A_436 : i32
        %sign3A_438 = arith.extui %sign3A_437 : i1 to i32
        %sign3A_439 = arith.subi %sign3A_435, %sign3A_438 : i32
        %sign3A_440 = arith.constant 0 : i32
        %sign3A_441 = arith.cmpi sgt, %jit3A_431, %sign3A_440 : i32
        %sign3A_442 = arith.extui %sign3A_441 : i1 to i32
        %sign3A_443 = arith.constant 0 : i32
        %sign3A_444 = arith.cmpi slt, %jit3A_431, %sign3A_443 : i32
        %sign3A_445 = arith.extui %sign3A_444 : i1 to i32
        %sign3A_446 = arith.subi %sign3A_442, %sign3A_445 : i32
        %ne3A_447 = arith.cmpi ne, %sign3A_439, %sign3A_446 : i32
        %rem3A_448 = arith.remsi %add3A_392, %jit3A_431 : i32
        %ne3A_449 = arith.constant 0 : i32
        %ne3A_450 = arith.cmpi ne, %rem3A_448, %ne3A_449 : i32
        %and3A_451 = arith.andi %ne3A_447, %ne3A_450 : i1
        %sub3A_452 = arith.constant 1 : i32
        %sub3A_453 = arith.subi %div3A_432, %sub3A_452 : i32
        %select_n3A_454 = arith.select %and3A_451, %sub3A_453, %div3A_432 : i32
        %rem3A_455 = arith.constant 2 : i32
        %rem3A_456 = arith.remsi %add3A_392, %rem3A_455 : i32
        %mul3A_457 = arith.constant 512 : i32
        %mul3A_458 = arith.muli %rem3A_456, %mul3A_457 : i32
        %add3A_459 = arith.constant 128 : i32
        %add3A_460 = arith.addi %mul3A_458, %add3A_459 : i32
        %dma_start3A_461 = arith.constant 128 : i32
        %dma_start3A_462 = arith.constant 0 : i32
        %dma_start3A_463 = tpu.memref_slice %arg6[%dma_start3A_461, %dma_start3A_462] : memref<512x64xf32, #tpu.memory_space<vmem>> -> memref<128x64xf32, #tpu.memory_space<vmem>>
        %dma_start3A_464 = tpu.memref_slice %arg5[%select_n3A_454, %add3A_460] : memref<25x1024xi32, #tpu.memory_space<vmem>> -> memref<1x128xi32, #tpu.memory_space<vmem>>
        %dma_start3A_465 = tpu.memref_squeeze %dma_start3A_464 : memref<1x128xi32, #tpu.memory_space<vmem>> -> memref<128xi32, #tpu.memory_space<vmem>>
        %dma_start3A_466 = arith.constant 0 : i32
        %dma_start3A_467 = arith.constant 0 : i32
        %dma_start3A_468 = tpu.memref_slice %arg3[%dma_start3A_466, %dma_start3A_467] : memref<1000000x64xf32, #tpu.memory_space<hbm>> -> memref<1000000x64xf32, #tpu.memory_space<hbm>>
        tpu.enqueue_indirect_dma source(%dma_start3A_468 : memref<1000000x64xf32, #tpu.memory_space<hbm>>) target(%dma_start3A_463 : memref<128x64xf32, #tpu.memory_space<vmem>>) offsets(%dma_start3A_465 : memref<128xi32, #tpu.memory_space<vmem>>) semaphore(%arg8 : memref<!tpu.dma_semaphore, #tpu.memory_space<semaphore_mem>>)
        %jit3A_469 = arith.constant 2 : i32
        %div3A_470 = arith.divsi %add3A_392, %jit3A_469 : i32
        %sign3A_471 = arith.constant 0 : i32
        %sign3A_472 = arith.cmpi sgt, %add3A_392, %sign3A_471 : i32
        %sign3A_473 = arith.extui %sign3A_472 : i1 to i32
        %sign3A_474 = arith.constant 0 : i32
        %sign3A_475 = arith.cmpi slt, %add3A_392, %sign3A_474 : i32
        %sign3A_476 = arith.extui %sign3A_475 : i1 to i32
        %sign3A_477 = arith.subi %sign3A_473, %sign3A_476 : i32
        %sign3A_478 = arith.constant 0 : i32
        %sign3A_479 = arith.cmpi sgt, %jit3A_469, %sign3A_478 : i32
        %sign3A_480 = arith.extui %sign3A_479 : i1 to i32
        %sign3A_481 = arith.constant 0 : i32
        %sign3A_482 = arith.cmpi slt, %jit3A_469, %sign3A_481 : i32
        %sign3A_483 = arith.extui %sign3A_482 : i1 to i32
        %sign3A_484 = arith.subi %sign3A_480, %sign3A_483 : i32
        %ne3A_485 = arith.cmpi ne, %sign3A_477, %sign3A_484 : i32
        %rem3A_486 = arith.remsi %add3A_392, %jit3A_469 : i32
        %ne3A_487 = arith.constant 0 : i32
        %ne3A_488 = arith.cmpi ne, %rem3A_486, %ne3A_487 : i32
        %and3A_489 = arith.andi %ne3A_485, %ne3A_488 : i1
        %sub3A_490 = arith.constant 1 : i32
        %sub3A_491 = arith.subi %div3A_470, %sub3A_490 : i32
        %select_n3A_492 = arith.select %and3A_489, %sub3A_491, %div3A_470 : i32
        %rem3A_493 = arith.constant 2 : i32
        %rem3A_494 = arith.remsi %add3A_392, %rem3A_493 : i32
        %mul3A_495 = arith.constant 512 : i32
        %mul3A_496 = arith.muli %rem3A_494, %mul3A_495 : i32
        %add3A_497 = arith.constant 256 : i32
        %add3A_498 = arith.addi %mul3A_496, %add3A_497 : i32
        %dma_start3A_499 = arith.constant 256 : i32
        %dma_start3A_500 = arith.constant 0 : i32
        %dma_start3A_501 = tpu.memref_slice %arg6[%dma_start3A_499, %dma_start3A_500] : memref<512x64xf32, #tpu.memory_space<vmem>> -> memref<128x64xf32, #tpu.memory_space<vmem>>
        %dma_start3A_502 = tpu.memref_slice %arg5[%select_n3A_492, %add3A_498] : memref<25x1024xi32, #tpu.memory_space<vmem>> -> memref<1x128xi32, #tpu.memory_space<vmem>>
        %dma_start3A_503 = tpu.memref_squeeze %dma_start3A_502 : memref<1x128xi32, #tpu.memory_space<vmem>> -> memref<128xi32, #tpu.memory_space<vmem>>
        %dma_start3A_504 = arith.constant 0 : i32
        %dma_start3A_505 = arith.constant 0 : i32
        %dma_start3A_506 = tpu.memref_slice %arg3[%dma_start3A_504, %dma_start3A_505] : memref<1000000x64xf32, #tpu.memory_space<hbm>> -> memref<1000000x64xf32, #tpu.memory_space<hbm>>
        tpu.enqueue_indirect_dma source(%dma_start3A_506 : memref<1000000x64xf32, #tpu.memory_space<hbm>>) target(%dma_start3A_501 : memref<128x64xf32, #tpu.memory_space<vmem>>) offsets(%dma_start3A_503 : memref<128xi32, #tpu.memory_space<vmem>>) semaphore(%arg8 : memref<!tpu.dma_semaphore, #tpu.memory_space<semaphore_mem>>)
        %jit3A_507 = arith.constant 2 : i32
        %div3A_508 = arith.divsi %add3A_392, %jit3A_507 : i32
        %sign3A_509 = arith.constant 0 : i32
        %sign3A_510 = arith.cmpi sgt, %add3A_392, %sign3A_509 : i32
        %sign3A_511 = arith.extui %sign3A_510 : i1 to i32
        %sign3A_512 = arith.constant 0 : i32
        %sign3A_513 = arith.cmpi slt, %add3A_392, %sign3A_512 : i32
        %sign3A_514 = arith.extui %sign3A_513 : i1 to i32
        %sign3A_515 = arith.subi %sign3A_511, %sign3A_514 : i32
        %sign3A_516 = arith.constant 0 : i32
        %sign3A_517 = arith.cmpi sgt, %jit3A_507, %sign3A_516 : i32
        %sign3A_518 = arith.extui %sign3A_517 : i1 to i32
        %sign3A_519 = arith.constant 0 : i32
        %sign3A_520 = arith.cmpi slt, %jit3A_507, %sign3A_519 : i32
        %sign3A_521 = arith.extui %sign3A_520 : i1 to i32
        %sign3A_522 = arith.subi %sign3A_518, %sign3A_521 : i32
        %ne3A_523 = arith.cmpi ne, %sign3A_515, %sign3A_522 : i32
        %rem3A_524 = arith.remsi %add3A_392, %jit3A_507 : i32
        %ne3A_525 = arith.constant 0 : i32
        %ne3A_526 = arith.cmpi ne, %rem3A_524, %ne3A_525 : i32
        %and3A_527 = arith.andi %ne3A_523, %ne3A_526 : i1
        %sub3A_528 = arith.constant 1 : i32
        %sub3A_529 = arith.subi %div3A_508, %sub3A_528 : i32
        %select_n3A_530 = arith.select %and3A_527, %sub3A_529, %div3A_508 : i32
        %rem3A_531 = arith.constant 2 : i32
        %rem3A_532 = arith.remsi %add3A_392, %rem3A_531 : i32
        %mul3A_533 = arith.constant 512 : i32
        %mul3A_534 = arith.muli %rem3A_532, %mul3A_533 : i32
        %add3A_535 = arith.constant 384 : i32
        %add3A_536 = arith.addi %mul3A_534, %add3A_535 : i32
        %dma_start3A_537 = arith.constant 384 : i32
        %dma_start3A_538 = arith.constant 0 : i32
        %dma_start3A_539 = tpu.memref_slice %arg6[%dma_start3A_537, %dma_start3A_538] : memref<512x64xf32, #tpu.memory_space<vmem>> -> memref<128x64xf32, #tpu.memory_space<vmem>>
        %dma_start3A_540 = tpu.memref_slice %arg5[%select_n3A_530, %add3A_536] : memref<25x1024xi32, #tpu.memory_space<vmem>> -> memref<1x128xi32, #tpu.memory_space<vmem>>
        %dma_start3A_541 = tpu.memref_squeeze %dma_start3A_540 : memref<1x128xi32, #tpu.memory_space<vmem>> -> memref<128xi32, #tpu.memory_space<vmem>>
        %dma_start3A_542 = arith.constant 0 : i32
        %dma_start3A_543 = arith.constant 0 : i32
        %dma_start3A_544 = tpu.memref_slice %arg3[%dma_start3A_542, %dma_start3A_543] : memref<1000000x64xf32, #tpu.memory_space<hbm>> -> memref<1000000x64xf32, #tpu.memory_space<hbm>>
        tpu.enqueue_indirect_dma source(%dma_start3A_544 : memref<1000000x64xf32, #tpu.memory_space<hbm>>) target(%dma_start3A_539 : memref<128x64xf32, #tpu.memory_space<vmem>>) offsets(%dma_start3A_541 : memref<128xi32, #tpu.memory_space<vmem>>) semaphore(%arg8 : memref<!tpu.dma_semaphore, #tpu.memory_space<semaphore_mem>>)
      } else {
      }
      %mul3A_327 = arith.constant 2 : i32
      %mul3A_328 = arith.muli %mul3A_327, %add3A_108 : i32
      %add3A_329 = arith.constant 1 : i32
      %add3A_330 = arith.addi %mul3A_328, %add3A_329 : i32
      %jit3A_331 = arith.constant 2 : i32
      %div3A_332 = arith.divsi %add3A_330, %jit3A_331 : i32
      %sign3A_333 = arith.constant 0 : i32
      %sign3A_334 = arith.cmpi sgt, %add3A_330, %sign3A_333 : i32
      %sign3A_335 = arith.extui %sign3A_334 : i1 to i32
      %sign3A_336 = arith.constant 0 : i32
      %sign3A_337 = arith.cmpi slt, %add3A_330, %sign3A_336 : i32
      %sign3A_338 = arith.extui %sign3A_337 : i1 to i32
      %sign3A_339 = arith.subi %sign3A_335, %sign3A_338 : i32
      %sign3A_340 = arith.constant 0 : i32
      %sign3A_341 = arith.cmpi sgt, %jit3A_331, %sign3A_340 : i32
      %sign3A_342 = arith.extui %sign3A_341 : i1 to i32
      %sign3A_343 = arith.constant 0 : i32
      %sign3A_344 = arith.cmpi slt, %jit3A_331, %sign3A_343 : i32
      %sign3A_345 = arith.extui %sign3A_344 : i1 to i32
      %sign3A_346 = arith.subi %sign3A_342, %sign3A_345 : i32
      %ne3A_347 = arith.cmpi ne, %sign3A_339, %sign3A_346 : i32
      %rem3A_348 = arith.remsi %add3A_330, %jit3A_331 : i32
      %ne3A_349 = arith.constant 0 : i32
      %ne3A_350 = arith.cmpi ne, %rem3A_348, %ne3A_349 : i32
      %and3A_351 = arith.andi %ne3A_347, %ne3A_350 : i1
      %sub3A_352 = arith.constant 1 : i32
      %sub3A_353 = arith.subi %div3A_332, %sub3A_352 : i32
      %select_n3A_354 = arith.select %and3A_351, %sub3A_353, %div3A_332 : i32
      %add3A_355 = arith.addi %mul3A_18, %select_n3A_354 : i32
      %rem3A_356 = arith.constant 2 : i32
      %rem3A_357 = arith.remsi %add3A_330, %rem3A_356 : i32
      %mul3A_358 = arith.constant 4 : i32
      %mul3A_359 = arith.muli %rem3A_357, %mul3A_358 : i32
      %add3A_360 = arith.addi %mul3A_34, %mul3A_359 : i32
      %dma_wait3A_361 = arith.constant 0 : i32
      %dma_wait3A_362 = arith.constant 0 : i32
      %dma_wait3A_363 = tpu.memref_slice %arg5[%dma_wait3A_361, %dma_wait3A_362] : memref<25x1024xi32, #tpu.memory_space<vmem>> -> memref<1x512xi32, #tpu.memory_space<vmem>>
      %dma_wait3A_364 = tpu.memref_squeeze %dma_wait3A_363 : memref<1x512xi32, #tpu.memory_space<vmem>> -> memref<512xi32, #tpu.memory_space<vmem>>
      %dma_wait3A_365 = arith.constant 0 : i32
      %dma_wait3A_366 = arith.constant 0 : i32
      %dma_wait3A_367 = tpu.memref_slice %arg3[%dma_wait3A_365, %dma_wait3A_366] : memref<1000000x64xf32, #tpu.memory_space<hbm>> -> memref<1000000x64xf32, #tpu.memory_space<hbm>>
      tpu.wait_indirect_dma semaphore(%arg9 : memref<!tpu.dma_semaphore, #tpu.memory_space<semaphore_mem>>) src(%dma_wait3A_367 : memref<1000000x64xf32, #tpu.memory_space<hbm>>) dst(%arg7 : memref<512x64xf32, #tpu.memory_space<vmem>>)
      %scan3A_368 = arith.constant 0 : i32
      %scan3A_369 = arith.constant 512 : i32
      %scan3A_370 = arith.addi %scan3A_368, %scan3A_369 : i32
      %scan3A_371 = arith.constant 1 : i32
      scf.for %scan3A_389 = %scan3A_368 to %scan3A_370 step %scan3A_371  : i32 {
        %mul3A_390 = arith.constant 1 : i32
        %mul3A_391 = arith.muli %scan3A_389, %mul3A_390 : i32
        %add3A_392 = arith.constant 0 : i32
        %add3A_393 = arith.addi %add3A_392, %mul3A_391 : i32
        %get3A = arith.index_cast %add3A_393 : i32 to index
        %get3A_394 = arith.constant 0 : index
        %get3A_395 = tpu.vector_load %arg7[%get3A, %get3A_394] {strides = array<i32>} : memref<512x64xf32, #tpu.memory_space<vmem>>, vector<1x16xf32>,
        %get3A_396 = vector.shape_cast %get3A_395 : vector<1x16xf32> to vector<16xf32>
        %mul3A_397 = arith.constant 8.000000e+00 : f32
        %mul3A_398 = vector.broadcast %mul3A_397 : f32 to vector<16xf32>
        %mul3A_399 = arith.mulf %get3A_396, %mul3A_398 : vector<16xf32>
        %swap3A = arith.index_cast %add3A_393 : i32 to index
        %swap3A_400 = arith.constant 0 : index
        %swap3A_401 = tpu.vector_load %arg7[%swap3A, %swap3A_400] {strides = array<i32>} : memref<512x64xf32, #tpu.memory_space<vmem>>, vector<1x16xf32>,
        %swap3A_402 = vector.shape_cast %swap3A_401 : vector<1x16xf32> to vector<16xf32>
        %swap3A_403 = vector.shape_cast %mul3A_399 : vector<16xf32> to vector<1x16xf32>
        tpu.vector_store %arg7[%swap3A, %swap3A_400], %swap3A_403 {strides = array<i32>} : memref<512x64xf32, #tpu.memory_space<vmem>>, vector<1x16xf32>,
        %get3A_404 = arith.index_cast %add3A_393 : i32 to index
        %get3A_405 = arith.constant 16 : index
        %get3A_406 = tpu.vector_load %arg7[%get3A_404, %get3A_405] {strides = array<i32>} : memref<512x64xf32, #tpu.memory_space<vmem>>, vector<1x16xf32>,
        %get3A_407 = vector.shape_cast %get3A_406 : vector<1x16xf32> to vector<16xf32>
        %mul3A_408 = arith.constant 8.000000e+00 : f32
        %mul3A_409 = vector.broadcast %mul3A_408 : f32 to vector<16xf32>
        %mul3A_410 = arith.mulf %get3A_407, %mul3A_409 : vector<16xf32>
        %swap3A_411 = arith.index_cast %add3A_393 : i32 to index
        %swap3A_412 = arith.constant 16 : index
        %swap3A_413 = tpu.vector_load %arg7[%swap3A_411, %swap3A_412] {strides = array<i32>} : memref<512x64xf32, #tpu.memory_space<vmem>>, vector<1x16xf32>,
        %swap3A_414 = vector.shape_cast %swap3A_413 : vector<1x16xf32> to vector<16xf32>
        %swap3A_415 = vector.shape_cast %mul3A_410 : vector<16xf32> to vector<1x16xf32>
        tpu.vector_store %arg7[%swap3A_411, %swap3A_412], %swap3A_415 {strides = array<i32>} : memref<512x64xf32, #tpu.memory_space<vmem>>, vector<1x16xf32>,
        %get3A_416 = arith.index_cast %add3A_393 : i32 to index
        %get3A_417 = arith.constant 32 : index
        %get3A_418 = tpu.vector_load %arg7[%get3A_416, %get3A_417] {strides = array<i32>} : memref<512x64xf32, #tpu.memory_space<vmem>>, vector<1x16xf32>,
        %get3A_419 = vector.shape_cast %get3A_418 : vector<1x16xf32> to vector<16xf32>
        %mul3A_420 = arith.constant 8.000000e+00 : f32
        %mul3A_421 = vector.broadcast %mul3A_420 : f32 to vector<16xf32>
        %mul3A_422 = arith.mulf %get3A_419, %mul3A_421 : vector<16xf32>
        %swap3A_423 = arith.index_cast %add3A_393 : i32 to index
        %swap3A_424 = arith.constant 32 : index
        %swap3A_425 = tpu.vector_load %arg7[%swap3A_423, %swap3A_424] {strides = array<i32>} : memref<512x64xf32, #tpu.memory_space<vmem>>, vector<1x16xf32>,
        %swap3A_426 = vector.shape_cast %swap3A_425 : vector<1x16xf32> to vector<16xf32>
        %swap3A_427 = vector.shape_cast %mul3A_422 : vector<16xf32> to vector<1x16xf32>
        tpu.vector_store %arg7[%swap3A_423, %swap3A_424], %swap3A_427 {strides = array<i32>} : memref<512x64xf32, #tpu.memory_space<vmem>>, vector<1x16xf32>,
        %get3A_428 = arith.index_cast %add3A_393 : i32 to index
        %get3A_429 = arith.constant 48 : index
        %get3A_430 = tpu.vector_load %arg7[%get3A_428, %get3A_429] {strides = array<i32>} : memref<512x64xf32, #tpu.memory_space<vmem>>, vector<1x16xf32>,
        %get3A_431 = vector.shape_cast %get3A_430 : vector<1x16xf32> to vector<16xf32>
        %mul3A_432 = arith.constant 8.000000e+00 : f32
        %mul3A_433 = vector.broadcast %mul3A_432 : f32 to vector<16xf32>
        %mul3A_434 = arith.mulf %get3A_431, %mul3A_433 : vector<16xf32>
        %swap3A_435 = arith.index_cast %add3A_393 : i32 to index
        %swap3A_436 = arith.constant 48 : index
        %swap3A_437 = tpu.vector_load %arg7[%swap3A_435, %swap3A_436] {strides = array<i32>} : memref<512x64xf32, #tpu.memory_space<vmem>>, vector<1x16xf32>,
        %swap3A_438 = vector.shape_cast %swap3A_437 : vector<1x16xf32> to vector<16xf32>
        %swap3A_439 = vector.shape_cast %mul3A_434 : vector<16xf32> to vector<1x16xf32>
        tpu.vector_store %arg7[%swap3A_435, %swap3A_436], %swap3A_439 {strides = array<i32>} : memref<512x64xf32, #tpu.memory_space<vmem>>, vector<1x16xf32>,
      }
      %scan3A_372 = arith.constant 512 : i32
      %add3A_373 = arith.constant 0 : i32
      %add3A_374 = arith.addi %add3A_360, %add3A_373 : i32
      %mul3A_375 = arith.constant 128 : i32
      %mul3A_376 = arith.muli %add3A_374, %mul3A_375 : i32
      "tpu.region"() ({
        %run_scoped3A = tpu.sem_alloc : memref<!tpu.dma_semaphore, #tpu.memory_space<semaphore_mem>>
        %dma_start3A_389 = arith.constant 0 : i32
        %dma_start3A_390 = arith.constant 0 : i32
        %dma_start3A_391 = tpu.memref_slice %arg7[%dma_start3A_389, %dma_start3A_390] : memref<512x64xf32, #tpu.memory_space<vmem>> -> memref<128x64xf32, #tpu.memory_space<vmem>>
        %dma_start3A_392 = arith.constant 0 : i32
        %dma_start3A_393 = tpu.memref_slice %arg4[%mul3A_376, %add3A_355, %dma_start3A_392] : memref<4096x200x64xf32, #tpu.memory_space<hbm>> -> memref<128x1x64xf32, #tpu.memory_space<hbm>>
        %dma_start3A_394 = tpu.memref_squeeze %dma_start3A_393 : memref<128x1x64xf32, #tpu.memory_space<hbm>> -> memref<128x64xf32, #tpu.memory_space<hbm>>
        %dma_start3A_395 = arith.constant 0 : i32
        %dma_start3A_396 = tpu.memref_slice %arg4[%mul3A_376, %add3A_355, %dma_start3A_395] : memref<4096x200x64xf32, #tpu.memory_space<hbm>> -> memref<128x1x64xf32, #tpu.memory_space<hbm>>
        %dma_start3A_397 = tpu.memref_squeeze %dma_start3A_396 : memref<128x1x64xf32, #tpu.memory_space<hbm>> -> memref<128x64xf32, #tpu.memory_space<hbm>>
        %dma_start3A_398 = arith.constant 0 : i32
        %dma_start3A_399 = arith.constant 0 : i32
        %dma_start3A_400 = tpu.memref_slice %arg7[%dma_start3A_398, %dma_start3A_399] : memref<512x64xf32, #tpu.memory_space<vmem>> -> memref<128x64xf32, #tpu.memory_space<vmem>>
        tpu.enqueue_dma source(%dma_start3A_400 : memref<128x64xf32, #tpu.memory_space<vmem>>) target(%dma_start3A_397 : memref<128x64xf32, #tpu.memory_space<hbm>>) target_semaphore(%run_scoped3A : memref<!tpu.dma_semaphore, #tpu.memory_space<semaphore_mem>>)
        %dma_wait3A_401 = arith.constant 0 : i32
        %dma_wait3A_402 = arith.constant 0 : i32
        %dma_wait3A_403 = tpu.memref_slice %arg7[%dma_wait3A_401, %dma_wait3A_402] : memref<512x64xf32, #tpu.memory_space<vmem>> -> memref<128x64xf32, #tpu.memory_space<vmem>>
        %dma_wait3A_404 = arith.constant 0 : i32
        %dma_wait3A_405 = tpu.memref_slice %arg4[%mul3A_376, %add3A_355, %dma_wait3A_404] : memref<4096x200x64xf32, #tpu.memory_space<hbm>> -> memref<128x1x64xf32, #tpu.memory_space<hbm>>
        %dma_wait3A_406 = tpu.memref_squeeze %dma_wait3A_405 : memref<128x1x64xf32, #tpu.memory_space<hbm>> -> memref<128x64xf32, #tpu.memory_space<hbm>>
        %dma_wait3A_407 = arith.constant 0 : i32
        %dma_wait3A_408 = tpu.memref_slice %arg4[%mul3A_376, %add3A_355, %dma_wait3A_407] : memref<4096x200x64xf32, #tpu.memory_space<hbm>> -> memref<128x1x64xf32, #tpu.memory_space<hbm>>
        %dma_wait3A_409 = tpu.memref_squeeze %dma_wait3A_408 : memref<128x1x64xf32, #tpu.memory_space<hbm>> -> memref<128x64xf32, #tpu.memory_space<hbm>>
        %dma_wait3A_410 = arith.constant 0 : i32
        %dma_wait3A_411 = arith.constant 0 : i32
        %dma_wait3A_412 = tpu.memref_slice %arg7[%dma_wait3A_410, %dma_wait3A_411] : memref<512x64xf32, #tpu.memory_space<vmem>> -> memref<128x64xf32, #tpu.memory_space<vmem>>
        tpu.wait_dma2 semaphore(%run_scoped3A : memref<!tpu.dma_semaphore, #tpu.memory_space<semaphore_mem>>) src(%dma_wait3A_412 : memref<128x64xf32, #tpu.memory_space<vmem>>) dst(%dma_wait3A_409 : memref<128x64xf32, #tpu.memory_space<hbm>>)
        tpu.yield
      }) : () -> ()
      %add3A_377 = arith.constant 1 : i32
      %add3A_378 = arith.addi %add3A_360, %add3A_377 : i32
      %mul3A_379 = arith.constant 128 : i32
      %mul3A_380 = arith.muli %add3A_378, %mul3A_379 : i32
      "tpu.region"() ({
        %run_scoped3A = tpu.sem_alloc : memref<!tpu.dma_semaphore, #tpu.memory_space<semaphore_mem>>
        %dma_start3A_389 = arith.constant 128 : i32
        %dma_start3A_390 = arith.constant 0 : i32
        %dma_start3A_391 = tpu.memref_slice %arg7[%dma_start3A_389, %dma_start3A_390] : memref<512x64xf32, #tpu.memory_space<vmem>> -> memref<128x64xf32, #tpu.memory_space<vmem>>
        %dma_start3A_392 = arith.constant 0 : i32
        %dma_start3A_393 = tpu.memref_slice %arg4[%mul3A_380, %add3A_355, %dma_start3A_392] : memref<4096x200x64xf32, #tpu.memory_space<hbm>> -> memref<128x1x64xf32, #tpu.memory_space<hbm>>
        %dma_start3A_394 = tpu.memref_squeeze %dma_start3A_393 : memref<128x1x64xf32, #tpu.memory_space<hbm>> -> memref<128x64xf32, #tpu.memory_space<hbm>>
        %dma_start3A_395 = arith.constant 0 : i32
        %dma_start3A_396 = tpu.memref_slice %arg4[%mul3A_380, %add3A_355, %dma_start3A_395] : memref<4096x200x64xf32, #tpu.memory_space<hbm>> -> memref<128x1x64xf32, #tpu.memory_space<hbm>>
        %dma_start3A_397 = tpu.memref_squeeze %dma_start3A_396 : memref<128x1x64xf32, #tpu.memory_space<hbm>> -> memref<128x64xf32, #tpu.memory_space<hbm>>
        %dma_start3A_398 = arith.constant 128 : i32
        %dma_start3A_399 = arith.constant 0 : i32
        %dma_start3A_400 = tpu.memref_slice %arg7[%dma_start3A_398, %dma_start3A_399] : memref<512x64xf32, #tpu.memory_space<vmem>> -> memref<128x64xf32, #tpu.memory_space<vmem>>
        tpu.enqueue_dma source(%dma_start3A_400 : memref<128x64xf32, #tpu.memory_space<vmem>>) target(%dma_start3A_397 : memref<128x64xf32, #tpu.memory_space<hbm>>) target_semaphore(%run_scoped3A : memref<!tpu.dma_semaphore, #tpu.memory_space<semaphore_mem>>)
        %dma_wait3A_401 = arith.constant 128 : i32
        %dma_wait3A_402 = arith.constant 0 : i32
        %dma_wait3A_403 = tpu.memref_slice %arg7[%dma_wait3A_401, %dma_wait3A_402] : memref<512x64xf32, #tpu.memory_space<vmem>> -> memref<128x64xf32, #tpu.memory_space<vmem>>
        %dma_wait3A_404 = arith.constant 0 : i32
        %dma_wait3A_405 = tpu.memref_slice %arg4[%mul3A_380, %add3A_355, %dma_wait3A_404] : memref<4096x200x64xf32, #tpu.memory_space<hbm>> -> memref<128x1x64xf32, #tpu.memory_space<hbm>>
        %dma_wait3A_406 = tpu.memref_squeeze %dma_wait3A_405 : memref<128x1x64xf32, #tpu.memory_space<hbm>> -> memref<128x64xf32, #tpu.memory_space<hbm>>
        %dma_wait3A_407 = arith.constant 0 : i32
        %dma_wait3A_408 = tpu.memref_slice %arg4[%mul3A_380, %add3A_355, %dma_wait3A_407] : memref<4096x200x64xf32, #tpu.memory_space<hbm>> -> memref<128x1x64xf32, #tpu.memory_space<hbm>>
        %dma_wait3A_409 = tpu.memref_squeeze %dma_wait3A_408 : memref<128x1x64xf32, #tpu.memory_space<hbm>> -> memref<128x64xf32, #tpu.memory_space<hbm>>
        %dma_wait3A_410 = arith.constant 128 : i32
        %dma_wait3A_411 = arith.constant 0 : i32
        %dma_wait3A_412 = tpu.memref_slice %arg7[%dma_wait3A_410, %dma_wait3A_411] : memref<512x64xf32, #tpu.memory_space<vmem>> -> memref<128x64xf32, #tpu.memory_space<vmem>>
        tpu.wait_dma2 semaphore(%run_scoped3A : memref<!tpu.dma_semaphore, #tpu.memory_space<semaphore_mem>>) src(%dma_wait3A_412 : memref<128x64xf32, #tpu.memory_space<vmem>>) dst(%dma_wait3A_409 : memref<128x64xf32, #tpu.memory_space<hbm>>)
        tpu.yield
      }) : () -> ()
      %add3A_381 = arith.constant 2 : i32
      %add3A_382 = arith.addi %add3A_360, %add3A_381 : i32
      %mul3A_383 = arith.constant 128 : i32
      %mul3A_384 = arith.muli %add3A_382, %mul3A_383 : i32
      "tpu.region"() ({
        %run_scoped3A = tpu.sem_alloc : memref<!tpu.dma_semaphore, #tpu.memory_space<semaphore_mem>>
        %dma_start3A_389 = arith.constant 256 : i32
        %dma_start3A_390 = arith.constant 0 : i32
        %dma_start3A_391 = tpu.memref_slice %arg7[%dma_start3A_389, %dma_start3A_390] : memref<512x64xf32, #tpu.memory_space<vmem>> -> memref<128x64xf32, #tpu.memory_space<vmem>>
        %dma_start3A_392 = arith.constant 0 : i32
        %dma_start3A_393 = tpu.memref_slice %arg4[%mul3A_384, %add3A_355, %dma_start3A_392] : memref<4096x200x64xf32, #tpu.memory_space<hbm>> -> memref<128x1x64xf32, #tpu.memory_space<hbm>>
        %dma_start3A_394 = tpu.memref_squeeze %dma_start3A_393 : memref<128x1x64xf32, #tpu.memory_space<hbm>> -> memref<128x64xf32, #tpu.memory_space<hbm>>
        %dma_start3A_395 = arith.constant 0 : i32
        %dma_start3A_396 = tpu.memref_slice %arg4[%mul3A_384, %add3A_355, %dma_start3A_395] : memref<4096x200x64xf32, #tpu.memory_space<hbm>> -> memref<128x1x64xf32, #tpu.memory_space<hbm>>
        %dma_start3A_397 = tpu.memref_squeeze %dma_start3A_396 : memref<128x1x64xf32, #tpu.memory_space<hbm>> -> memref<128x64xf32, #tpu.memory_space<hbm>>
        %dma_start3A_398 = arith.constant 256 : i32
        %dma_start3A_399 = arith.constant 0 : i32
        %dma_start3A_400 = tpu.memref_slice %arg7[%dma_start3A_398, %dma_start3A_399] : memref<512x64xf32, #tpu.memory_space<vmem>> -> memref<128x64xf32, #tpu.memory_space<vmem>>
        tpu.enqueue_dma source(%dma_start3A_400 : memref<128x64xf32, #tpu.memory_space<vmem>>) target(%dma_start3A_397 : memref<128x64xf32, #tpu.memory_space<hbm>>) target_semaphore(%run_scoped3A : memref<!tpu.dma_semaphore, #tpu.memory_space<semaphore_mem>>)
        %dma_wait3A_401 = arith.constant 256 : i32
        %dma_wait3A_402 = arith.constant 0 : i32
        %dma_wait3A_403 = tpu.memref_slice %arg7[%dma_wait3A_401, %dma_wait3A_402] : memref<512x64xf32, #tpu.memory_space<vmem>> -> memref<128x64xf32, #tpu.memory_space<vmem>>
        %dma_wait3A_404 = arith.constant 0 : i32
        %dma_wait3A_405 = tpu.memref_slice %arg4[%mul3A_384, %add3A_355, %dma_wait3A_404] : memref<4096x200x64xf32, #tpu.memory_space<hbm>> -> memref<128x1x64xf32, #tpu.memory_space<hbm>>
        %dma_wait3A_406 = tpu.memref_squeeze %dma_wait3A_405 : memref<128x1x64xf32, #tpu.memory_space<hbm>> -> memref<128x64xf32, #tpu.memory_space<hbm>>
        %dma_wait3A_407 = arith.constant 0 : i32
        %dma_wait3A_408 = tpu.memref_slice %arg4[%mul3A_384, %add3A_355, %dma_wait3A_407] : memref<4096x200x64xf32, #tpu.memory_space<hbm>> -> memref<128x1x64xf32, #tpu.memory_space<hbm>>
        %dma_wait3A_409 = tpu.memref_squeeze %dma_wait3A_408 : memref<128x1x64xf32, #tpu.memory_space<hbm>> -> memref<128x64xf32, #tpu.memory_space<hbm>>
        %dma_wait3A_410 = arith.constant 256 : i32
        %dma_wait3A_411 = arith.constant 0 : i32
        %dma_wait3A_412 = tpu.memref_slice %arg7[%dma_wait3A_410, %dma_wait3A_411] : memref<512x64xf32, #tpu.memory_space<vmem>> -> memref<128x64xf32, #tpu.memory_space<vmem>>
        tpu.wait_dma2 semaphore(%run_scoped3A : memref<!tpu.dma_semaphore, #tpu.memory_space<semaphore_mem>>) src(%dma_wait3A_412 : memref<128x64xf32, #tpu.memory_space<vmem>>) dst(%dma_wait3A_409 : memref<128x64xf32, #tpu.memory_space<hbm>>)
        tpu.yield
      }) : () -> ()
      %add3A_385 = arith.constant 3 : i32
      %add3A_386 = arith.addi %add3A_360, %add3A_385 : i32
      %mul3A_387 = arith.constant 128 : i32
      %mul3A_388 = arith.muli %add3A_386, %mul3A_387 : i32
      "tpu.region"() ({
        %run_scoped3A = tpu.sem_alloc : memref<!tpu.dma_semaphore, #tpu.memory_space<semaphore_mem>>
        %dma_start3A_389 = arith.constant 384 : i32
        %dma_start3A_390 = arith.constant 0 : i32
        %dma_start3A_391 = tpu.memref_slice %arg7[%dma_start3A_389, %dma_start3A_390] : memref<512x64xf32, #tpu.memory_space<vmem>> -> memref<128x64xf32, #tpu.memory_space<vmem>>
        %dma_start3A_392 = arith.constant 0 : i32
        %dma_start3A_393 = tpu.memref_slice %arg4[%mul3A_388, %add3A_355, %dma_start3A_392] : memref<4096x200x64xf32, #tpu.memory_space<hbm>> -> memref<128x1x64xf32, #tpu.memory_space<hbm>>
        %dma_start3A_394 = tpu.memref_squeeze %dma_start3A_393 : memref<128x1x64xf32, #tpu.memory_space<hbm>> -> memref<128x64xf32, #tpu.memory_space<hbm>>
        %dma_start3A_395 = arith.constant 0 : i32
        %dma_start3A_396 = tpu.memref_slice %arg4[%mul3A_388, %add3A_355, %dma_start3A_395] : memref<4096x200x64xf32, #tpu.memory_space<hbm>> -> memref<128x1x64xf32, #tpu.memory_space<hbm>>
        %dma_start3A_397 = tpu.memref_squeeze %dma_start3A_396 : memref<128x1x64xf32, #tpu.memory_space<hbm>> -> memref<128x64xf32, #tpu.memory_space<hbm>>
        %dma_start3A_398 = arith.constant 384 : i32
        %dma_start3A_399 = arith.constant 0 : i32
        %dma_start3A_400 = tpu.memref_slice %arg7[%dma_start3A_398, %dma_start3A_399] : memref<512x64xf32, #tpu.memory_space<vmem>> -> memref<128x64xf32, #tpu.memory_space<vmem>>
        tpu.enqueue_dma source(%dma_start3A_400 : memref<128x64xf32, #tpu.memory_space<vmem>>) target(%dma_start3A_397 : memref<128x64xf32, #tpu.memory_space<hbm>>) target_semaphore(%run_scoped3A : memref<!tpu.dma_semaphore, #tpu.memory_space<semaphore_mem>>)
        %dma_wait3A_401 = arith.constant 384 : i32
        %dma_wait3A_402 = arith.constant 0 : i32
        %dma_wait3A_403 = tpu.memref_slice %arg7[%dma_wait3A_401, %dma_wait3A_402] : memref<512x64xf32, #tpu.memory_space<vmem>> -> memref<128x64xf32, #tpu.memory_space<vmem>>
        %dma_wait3A_404 = arith.constant 0 : i32
        %dma_wait3A_405 = tpu.memref_slice %arg4[%mul3A_388, %add3A_355, %dma_wait3A_404] : memref<4096x200x64xf32, #tpu.memory_space<hbm>> -> memref<128x1x64xf32, #tpu.memory_space<hbm>>
        %dma_wait3A_406 = tpu.memref_squeeze %dma_wait3A_405 : memref<128x1x64xf32, #tpu.memory_space<hbm>> -> memref<128x64xf32, #tpu.memory_space<hbm>>
        %dma_wait3A_407 = arith.constant 0 : i32
        %dma_wait3A_408 = tpu.memref_slice %arg4[%mul3A_388, %add3A_355, %dma_wait3A_407] : memref<4096x200x64xf32, #tpu.memory_space<hbm>> -> memref<128x1x64xf32, #tpu.memory_space<hbm>>
        %dma_wait3A_409 = tpu.memref_squeeze %dma_wait3A_408 : memref<128x1x64xf32, #tpu.memory_space<hbm>> -> memref<128x64xf32, #tpu.memory_space<hbm>>
        %dma_wait3A_410 = arith.constant 384 : i32
        %dma_wait3A_411 = arith.constant 0 : i32
        %dma_wait3A_412 = tpu.memref_slice %arg7[%dma_wait3A_410, %dma_wait3A_411] : memref<512x64xf32, #tpu.memory_space<vmem>> -> memref<128x64xf32, #tpu.memory_space<vmem>>
        tpu.wait_dma2 semaphore(%run_scoped3A : memref<!tpu.dma_semaphore, #tpu.memory_space<semaphore_mem>>) src(%dma_wait3A_412 : memref<128x64xf32, #tpu.memory_space<vmem>>) dst(%dma_wait3A_409 : memref<128x64xf32, #tpu.memory_space<hbm>>)
        tpu.yield
      }) : () -> ()
    }
    %scan3A_103 = arith.constant 25 : i32
    return
  }
}

</mosaic_0001>

<sc_bundles>
// kernel: kernel.3.cloned.1.call-start
scs
__scs_entry_jumppad:
0x0: {  	(pc) =	sbr.rel $0x88, $3  }
0x1: {  	(tag) =	ssettag $0x0;
	lr =	simm.s32 $0x1  }
0x2: {  	[smem:$0x3F9F] =	sst lr;
	_ =	strace $0xD0000000  }
0x3: {  	_ = 	snop  }
0x4: {  	_ = 	snop  }
0x5: {  	_ = 	snop  }
0x6: {  	_ = 	snop  }
0x7: {  	_ = 	snop  }
__scs_overlays_trampoline_lowered:
0x8: {  	[smem:$0x3FAE] =	sst s0  }
0x9: {  	[smem:$0x3FAF] =	sst s1  }
0xa: {  	[smem:$0x3FB0] =	sst s2  }
0xb: {  	[smem:$0x3FB1] =	sst s3  }
0xc: {  	[smem:$0x3FB2] =	sst s4  }
0xd: {  	[smem:$0x3FB3] =	sst s5  }
0xe: {  	[smem:$0x3FB4] =	sst s6  }
0xf: {  	[smem:$0x3FB5] =	sst s7  }
0x10: {  	[smem:$0x3FB6] =	sst s8  }
0x11: {  	[smem:$0x3FB7] =	sst s9;
	s0 =	simm.s32 @!p0 $0x0  }
0x12: {  	s1 =	sld [smem:$0x3F9D];
	s0 =	simm.s32 @p0 $0x1  }
0x13: {  	[smem:$0x3FB8] =	sst s0;
	s0 =	simm.s32 @!p1 $0x0  }
0x14: {  	s2 =	sld [smem:$0x3F9C];
	s0 =	simm.s32 @p1 $0x1  }
0x15: {  	[smem:$0x3FB9] =	sst s0;
	s0 =	simm.s32 @!p2 $0x0  }
0x16: {  	s3 =	sld [smem:$0x3FDB];
	s0 =	simm.s32 @p2 $0x1  }
0x17: {  	s4 =	simm.s32 $0x1BF5;
	[smem:$0x3FBB] =	sst s0  }
0x18: {  	s0 =	sld [smem:$0x3F9E];
	_ =	swait.ge [sflag:s4], $0x0  }
0x19: {  	s7 =	sld [smem:$0x3F9F]  }
0x1a: {  	s8 =	sadd.s32 $0xFFFFE003, lr  }
0x1b: {  	s9 =	sadd.s32 $0xFFFFFEF7, lr;
	s5 =	simm.s32 $0xFFFFFFFF;
	p2 =	slt.u32 s8, $0xFFFFF086  }
0x1c: {  	p1 =	slt.u32 s9, $0xF7A;
	s5 =	simm.s32 @!p2 $0x0  }
0x1d: {  	s5 =	simm.s32 @p1 $0x1;
	p0 =	seq.s32 s7, s2  }
0x1e: {  	s7 =	smul.u32 @!p0 $0xF7A, s2;
	p2 =	seq.s32 @!p0 s5, $0x0  }
0x1f: {  	s9 =	smul.u32 $0xF7A, s1;
	s8 =	simm.s32 @!p0 $0x1BF5;
	p2 =	por !p2, p0  }
0x20: {  	[sflag:s8] =	ssyncset.s32 @!p0 $0xFFFFF086;
	s6 =	sadd.s32 @!p0 s3, s7;
	s7 =	simm.s32 @!p0 $0x108  }
0x21: {  	s3 =	sadd.s32 s3, s9;
	s6 =	sadd.s32 @!p0 $0x88, s6;
	s7 =	simm.s32 @p2 $0x1082  }
0x22: {  	[simem:s7], [sflag:s8] =	dma.local @!p0 [hbm:s6], $0xF7A  }
0x23: {  	s9 =	sor.u32 $0xD0000000, s2;
	s6 =	simm.s32 $0x108;
	_ =	swait.ge @!p0 [sflag:s8], $0x0  }
0x24: {  	s3 =	sadd.s32 $0x88, s3;
	s6 =	simm.s32 @!p1 $0x1082;
	[sflag:s4] =	ssyncset.s32 $0xFFFFF086  }
0x25: {  	[simem:s6], [sflag:s4] =	dma.local [hbm:s3], $0xF7A  }
0x26: {  	[smem:$0x3F9F] =	sst s1;
	(tag) =	ssettag s2;
	_ =	strace s9  }
0x27: {  	s1 =	sld [smem:$0x3FAF]  }
0x28: {  	s2 =	sld [smem:$0x3FB0]  }
0x29: {  	s4 =	sld [smem:$0x3FB2]  }
0x2a: {  	p0 =	seq.s32 s5, $0x0;
	s5 =	sld [smem:$0x3FB3]  }
0x2b: {  	s6 =	sld [smem:$0x3FB4]  }
0x2c: {  	s7 =	sld [smem:$0x3FB5]  }
0x2d: {  	s3 =	simm.s32 $0x108;
	s8 =	sld [smem:$0x3FB6]  }
0x2e: {  	s3 =	simm.s32 @!p0 $0x1082;
	s9 =	sld [smem:$0x3FB7]  }
0x2f: {  	lr =	sadd.s32 s0, s3;
	s0 =	sld [smem:$0x3FAE]  }
0x30: {  	s3 =	sld [smem:$0x3FB1]  }
0x31: {  	[smem:$0x3FBA] =	sst s10  }
0x32: {  	s10 =	sld [smem:$0x3FB8];
	_ =	sdelay $0x3  }
0x33: {  	p0 =	seq.s32 s10, $0x1;
	s10 =	sld [smem:$0x3FBA];
	_ =	sdelay $0x3  }
0x34: {  	[smem:$0x3FBA] =	sst s10  }
0x35: {  	s10 =	sld [smem:$0x3FB9];
	_ =	sdelay $0x3  }
0x36: {  	p1 =	seq.s32 s10, $0x1;
	s10 =	sld [smem:$0x3FBA];
	_ =	sdelay $0x3  }
0x37: {  	[smem:$0x3FBA] =	sst s10  }
0x38: {  	s10 =	sld [smem:$0x3FBB]  }
0x39: {  	_ = 	snop;
	(pc) =	sbr.ind lr, $3  }
0x3a: {  	_ = 	snop  }
0x3b: {  	_ = 	snop  }
0x3c: {  	p2 =	seq.s32 s10, $0x1;
	s10 =	sld [smem:$0x3FBA]  }
0x3d: {  	_ =	shalt  }
0x3e: {  	_ =	shalt  }
0x3f: {  	_ =	shalt  }
0x40: {  	_ =	shalt  }
0x41: {  	_ =	shalt  }
0x42: {  	_ =	shalt  }
0x43: {  	_ =	shalt  }
0x44: {  	_ =	shalt  }
0x45: {  	_ =	shalt  }
0x46: {  	_ =	shalt  }
0x47: {  	_ =	shalt  }
0x48: {  	_ =	shalt  }
0x49: {  	_ =	shalt  }
0x4a: {  	_ =	shalt  }
0x4b: {  	_ =	shalt  }
0x4c: {  	_ =	shalt  }
0x4d: {  	_ =	shalt  }
0x4e: {  	_ =	shalt  }
0x4f: {  	_ =	shalt  }
0x50: {  	_ =	shalt  }
0x51: {  	_ =	shalt  }
0x52: {  	_ =	shalt  }
0x53: {  	_ =	shalt  }
0x54: {  	_ =	shalt  }
0x55: {  	_ =	shalt  }
0x56: {  	_ =	shalt  }
0x57: {  	_ =	shalt  }
0x58: {  	_ =	shalt  }
0x59: {  	_ =	shalt  }
0x5a: {  	_ =	shalt  }
0x5b: {  	_ =	shalt  }
0x5c: {  	_ =	shalt  }
0x5d: {  	_ =	shalt  }
0x5e: {  	_ =	shalt  }
0x5f: {  	_ =	shalt  }
0x60: {  	_ =	shalt  }
0x61: {  	_ =	shalt  }
0x62: {  	_ =	shalt  }
0x63: {  	_ =	shalt  }
0x64: {  	_ =	shalt  }
0x65: {  	_ =	shalt  }
0x66: {  	_ =	shalt  }
0x67: {  	_ =	shalt  }
0x68: {  	_ =	shalt  }
0x69: {  	_ =	shalt  }
0x6a: {  	_ =	shalt  }
0x6b: {  	_ =	shalt  }
0x6c: {  	_ =	shalt  }
0x6d: {  	_ =	shalt  }
0x6e: {  	_ =	shalt  }
0x6f: {  	_ =	shalt  }
0x70: {  	_ =	shalt  }
0x71: {  	_ =	shalt  }
0x72: {  	_ =	shalt  }
0x73: {  	_ =	shalt  }
0x74: {  	_ =	shalt  }
0x75: {  	_ =	shalt  }
0x76: {  	_ =	shalt  }
0x77: {  	_ =	shalt  }
0x78: {  	_ =	shalt  }
0x79: {  	_ =	shalt  }
0x7a: {  	_ =	shalt  }
0x7b: {  	_ =	shalt  }
0x7c: {  	_ =	shalt  }
0x7d: {  	_ =	shalt  }
0x7e: {  	_ =	shalt  }
0x7f: {  	_ =	shalt  }
0x80: {  	_ =	shalt  }
0x81: {  	_ =	shalt  }
0x82: {  	_ =	shalt  }
0x83: {  	_ =	shalt  }
0x84: {  	_ =	shalt  }
0x85: {  	_ =	shalt  }
0x86: {  	_ =	shalt  }
0x87: {  	_ =	shalt  }
.Lfunc_end0:
.L_simem_size_0:
called_computation.1_lowered:
.L_overlay_start_0:
0x88: {  	s2 =	sld [smem:$0x3FD9]  }
0x89: {  	s3 =	sld [smem:$0x3FFE];
	_ =	sdelay $0x1  }
0x8a: {  	s1 =	srdreg.scid  }
0x8b: {  	s0 =	sand.u32 $0x1, s1  }
0x8c: {  	s17 =	sshll.u32 s0, $0xA;
	s2 =	sadd.s32 s3, s2  }
0x8d: {  	s2 =	sadd.s32 s2, s17  }
0x8e: {  	[smem:$0x3FC6] =	sst s2  }
0x8f: {  	_ = 	snop  }
0x90: {  	s2 =	sld [smem:$0x3FD0];
	(tm) =	ssettm $0x1  }
0x91: {  	s18 =	sld [smem:$0x3FFB];
	_ =	sdelay $0x3  }
0x92: {  	_ =	strace s18  }
0x93: {  	s3 =	sld [smem:$0x3FFC];
	_ =	sdelay $0x3  }
0x94: {  	_ =	strace s3  }
0x95: {  	s3 =	sld [smem:$0x3FFD];
	_ =	sdelay $0x3  }
0x96: {  	_ =	strace s3  }
0x97: {  	_ =	strace $0x8FFFFFFF  }
0x98: {  	s19 =	sld [smem:$0x3FDB];
	_ =	sdelay $0x1  }
0x99: {  	s4 =	simm.s32 $_scs_section_size  }
0x9a: {  	s5 =	simm.s32 $_size__tile_overlayer_lowered;
	s6 =	simm.s32 $_tile_overlayer_lowered  }
0x9b: {  	s22 =	simm.s32 $0x1BFF;
	s21 =	sshll.u32 s6, $0x1;
	s3 =	sadd.s32 s4, s19  }
0x9c: {  	s7 =	simm.s32 $0x0;
	s20 =	sshll.u32 s5, $0x1;
	s5 =	sadd.s32 s21, s3  }
0x9d: {  	[timem:s7], [sflag:s22] =	dma.local [hbm:s5], s20  }
0x9e: {  	_ =	swait.ge [sflag:s22], s20  }
0x9f: {  	s4 =	ssub.s32 $0x0, s20;
	[sflag:s22] =	ssyncset.done $0x0  }
0xa0: {  	[sflag:s22] =	ssyncadd.s32 s4;
	_ =	sdelay $0x1  }
0xa1: {  	s23 =	simm.s32 $0x1B8B  }
0xa2: {  	_ =	swait.ge [sflag:s23], $0x1  }
0xa3: {  	[sflag:s23] =	ssyncset.done $0x0  }
0xa4: {  	s25 =	simm.s32 $0x1B8E;
	s24 =	sld [smem:$0x3FFE];
	[sflag:s23] =	ssyncadd.s32 $0xFFFFFFFF  }
0xa5: {  	s26 =	simm.s32 $execute0_lowered;
	[smem:$0x3FD2] =	sst s25  }
0xa6: {  	s5 =	sshll.u32 s26, $0x1;
	_ =	strace $0x80000046;
	[dreg:$0x1] =	wrdreg $0xFFFFFFFF  }
0xa7: {  	s28 =	simm.s32 $_size_execute0_lowered;
	s3 =	sadd.s32 s3, s5;
	[dreg:$0x0] =	wrdreg $0x0  }
0xa8: {  	s5 =	sshll.u32 s28, $0x1;
	[dreg:$0x2] =	wrdreg s3  }
0xa9: {  	[dreg:$0x3] =	wrdreg s5  }
0xaa: {  	[dreg:$0x4] =	wrdreg $0xC0  }
0xab: {  	_ =	task [dreg:s7], $0x5FFFF  }
0xac: {  	[dreg:$0x1] =	wrdreg $0xFFFFFFFF  }
0xad: {  	[dreg:$0x0] =	wrdreg $0x60  }
0xae: {  	[dreg:$0x2] =	wrdreg s24  }
0xaf: {  	[dreg:$0x3] =	wrdreg s2  }
0xb0: {  	[dreg:$0x4] =	wrdreg $0x9  }
0xb1: {  	_ =	task.clear_ibuf [dreg:s7], $0x5FFFF;
	_ =	strace $0x90000046  }
0xb2: {  	s29 =	simm.s32 $0x9;
	_ =	strace $0x80000048  }
0xb3: {  	_ =	swait.ge [sflag:s29], $0x1  }
0xb4: {  	[sflag:s29] =	ssyncadd.s32 $0xFFFFFFFF  }
0xb5: {  	_ =	strace $0x90000048  }
0xb6: {  	_ =	sfence  }
0xb7: {  	s30 =	sld [smem:$0x0];
	_ =	sdelay $0x2  }
0xb8: {  	s31 =	sshll.u32 s1, $0xD;
	s1 =	sshrl.u32 s1, $0x2  }
0xb9: {  	s3 =	sand.u32 $0x4000, s31;
	s1 =	sadd.s32 s1, s30  }
0xba: {  	s0 =	sor.u32 s3, s0;
	s1 =	sshll.u32 s1, $0x11  }
0xbb: {  	s0 =	sor.u32 s1, s0  }
0xbc: {  	s0 =	sadd.s32 $0x8F2B, s0  }
0xbd: {  	[sflag:s0] =	ssyncadd.remote.s32 $0x1  }
0xbe: {  	_ =	sfence.sel $0xFFFF  }
0xbf: {  	[dreg:$0x0] =	wrdreg $0xFFFFFFFF;
	(pc) =	sbr.abs _section_cstart, $3  }
0xc0: {  	[dreg:$0x1] =	wrdreg $0xFFFFFFFF  }
0xc1: {  	_ =	task.clear_ibuf [dreg:s7], $0x2FFFF;
	_ =	strace $0x9FFFFFFF  }
0xc2: {  	(tm) =	ssettm $0x7FFFFFFF  }
0xc3: {  	_ =	shalt  }
tec
execute0_lowered:
.L_overlay_start_1:
0x0: {  	(tag) =	ssettag $0x1  }
0x1: {  	s2 =	stileid.u32  }
0x2: {  	s0 =	srdreg.scid;
	s4 =	rddreg [dreg:$0x0];
	s7 =	simm.s32 $0x0  }
0x3: {  	s18 =	simm.s32 $0x3;
	s19 =	simm.s32 $0x80;
	s20 =	simm.s32 $0x6400  }
0x4: {  	s21 =	simm.s32 $0x8400;
	s23 =	simm.s32 $0xA400;
	s28 =	simm.s32 $0x10400  }
0x5: {  	s29 =	simm.s32 $0x12400;
	s30 =	simm.s32 $0x14400;
	s31 =	simm.s32 $0x1  }
0x6: {  	s16 =	simm.s32 $0x2;
	s1 =	sshll.u32 s2, $0x1;
	s0 =	sand.u32 $0x1, s0  }
0x7: {  	s3 =	sshrl.u32 s2, $0x1;
	s2 =	rddreg [dreg:$0x1];
	s1 =	sand.u32 $0x2, s1  }
0x8: {  	[smem:$0x7FF] =	sst s7;
	s5 =	smul.u32 $0x19000, s3;
	s1 =	sor.u32 s0, s1  }
0x9: {  	s7 =	simm.s32 $0x0;
	s0 =	ssub.s32 $0x2, s0;
	s6 =	sshll.u32 s1, $0xA  }
0xa: {  	_ =	strace $0x80000047;
	s25 =	sshrl.u32 s0, $0x1;
	s5 =	sor.u32 s5, s6  }
0xb: {  	s0 =	ssub.s32 s0, s25;
	s6 =	smul.u32 $0x19, s3;
	s5 =	sshrl.u32 s5, $0x3  }
0xc: {  	s25 =	simm.s32 $0xC400;
	s0 =	smax.u32 s0, $0x1;
	s24 =	sadd.s32 s5, s4  }
0xd: {  	s4 =	sadd.s32 $0xF42E00, s4;
	s5 =	smul.u32 $0xC80000, s1;
	[dreg:$0x4] =	wrdreg s0  }
0xe: {  	s1 =	simm.s32 $0x40;
	s0 =	simm.s32 $0x3200;
	s26 =	sadd.s32 $0xA00, s24  }
0xf: {  	[dreg:$0x3] =	wrdreg s26;
	s8 =	sadd.s32 $0x190000, s5;
	s9 =	sadd.s32 $0x320000, s5  }
0x10: {  	s10 =	sadd.s32 $0x4B0000, s5;
	s11 =	sadd.s32 $0x640000, s5;
	s12 =	sadd.s32 $0x7D0000, s5  }
0x11: {  	s13 =	sadd.s32 $0x960000, s5;
	s14 =	sadd.s32 $0xAF0000, s5;
	s26 =	simm.s32 $0xE400  }
.LBB2_1:
0x12: {  	[dreg:$0x5] =	wrdreg s7;
	s3 =	simm.s32 $0x0  }
0x13: {  	s24 =	rddreg [dreg:$0x3];
	s15 =	simm.s32 $0x400;
	s17 =	simm.s32 $0x1000  }
0x14: {  	[tilespmem:s3], [sflag:$0x3] =	stream.strided.gather [hbm4b:s24+s15], $0x6400, s17, s15, $0x38;
	[tilespmem:$0x16400] =	vst v63  }
0x15: {  	_ =	swait.ge [sflag:s18], $0x6400  }
0x16: {  	[sflag:s18] =	ssyncset.done $0x0  }
0x17: {  	[sflag:s18] =	ssyncadd.s32 $0xFFFF9C00  }
0x18: {  	[tilespmem:s20], [sflag:$0x1] =	stream.indirect.gather [hbm4b:s4+s19], $0x40, s3, s19, $0xb8;
	[tilespmem:$0x16400] =	vst v63  }
0x19: {  	_ = 	snop  }
0x1a: {  	[tilespmem:s21], [sflag:$0x1] =	stream.indirect.gather [hbm4b:s4+s19], $0x40, s19, s19, $0xb8;
	[tilespmem:$0x16400] =	vst v63  }
0x1b: {  	s22 =	simm.s32 $0x100  }
0x1c: {  	[tilespmem:s23], [sflag:$0x1] =	stream.indirect.gather [hbm4b:s4+s19], $0x40, s22, s19, $0xb8;
	[tilespmem:$0x16400] =	vst v63  }
0x1d: {  	s24 =	simm.s32 $0x180;
	s22 =	simm.s32 $0x0  }
0x1e: {  	[tilespmem:s25], [sflag:$0x1] =	stream.indirect.gather [hbm4b:s4+s19], $0x40, s24, s19, $0xb8;
	[tilespmem:$0x16400] =	vst v63  }
.LBB2_2:
0x1f: {  	s3 =	sshll.u32 s22, $0xA  }
0x20: {  	s3 =	sand.u32 $0x3FFFFC00, s3  }
0x21: {  	s7 =	sor.u32 $0x200, s3  }
0x22: {  	[tilespmem:s26], [sflag:$0x2] =	stream.indirect.gather [hbm4b:s4+s19], $0x40, s7, s19, $0xb8;
	[tilespmem:$0x16400] =	vst v63  }
0x23: {  	s15 =	sor.u32 $0x280, s3  }
0x24: {  	[tilespmem:s28], [sflag:$0x2] =	stream.indirect.gather [hbm4b:s4+s19], $0x40, s15, s19, $0xb8;
	[tilespmem:$0x16400] =	vst v63  }
0x25: {  	s17 =	sor.u32 $0x300, s3  }
0x26: {  	[tilespmem:s29], [sflag:$0x2] =	stream.indirect.gather [hbm4b:s4+s19], $0x40, s17, s19, $0xb8;
	[tilespmem:$0x16400] =	vst v63  }
0x27: {  	s24 =	sor.u32 $0x380, s3  }
0x28: {  	[tilespmem:s30], [sflag:$0x2] =	stream.indirect.gather [hbm4b:s4+s19], $0x40, s24, s19, $0xb8;
	[tilespmem:$0x16400] =	vst v63  }
0x29: {  	_ =	swait.ge [sflag:s31], $0x8000  }
0x2a: {  	[sflag:s31] =	ssyncset.done $0x0  }
0x2b: {  	s7 =	simm.s32 $0x0;
	[sflag:s31] =	ssyncadd.s32 $0xFFFF8000  }
0x2c: {  	v1 =	vld [tilespmem:s7+$0x6400]  }
0x2d: {  	v2 =	vld [tilespmem:s7+$0x6410]  }
0x2e: {  	s24 =	simm.s32 $0x100;
	v0 =	vld [tilespmem:s7+$0x6420]  }
.LBB2_3:
0x2f: {  	p0 =	sne.s32 s24, $0x1FF00;
	v3 =	vld [tilespmem:s7+$0x6430];
	_ =	sdelay $0x1  }
0x30: {  	v1 =	vmul.f32 $8.000000000e+00, v1  }
.Ltmp0:
0x31: {  	v2 =	vmul.f32 $8.000000000e+00, v2;
	(pc) =	sbr.rel @p0 .LBB2_3-.Ltmp0, $4  }
0x32: {  	s15 =	sshra.s32 s24, $0x2;
	[tilespmem:s7+$0x6400] =	vst v1;
	v0 =	vmul.f32 $8.000000000e+00, v0  }
0x33: {  	v1 =	vld [tilespmem:s15+$0x6400];
	[tilespmem:s7+$0x6410] =	vst v2;
	v3 =	vmul.f32 $8.000000000e+00, v3  }
0x34: {  	v2 =	vld [tilespmem:s15+$0x6410];
	[tilespmem:s7+$0x6420] =	vst v0  }
0x35: {  	s24 =	sadd.s32 $0x100, s24;
	v0 =	vld [tilespmem:s15+$0x6420];
	[tilespmem:s7+$0x6430] =	vst v3;
	s7 =	smov.u32 s15  }
0x36: {  	v3 =	vld [tilespmem:s7+$0x6430];
	_ =	sdelay $0x1  }
0x37: {  	v1 =	vmul.f32 $8.000000000e+00, v1  }
0x38: {  	s15 =	sadd.s32 s6, s22;
	v2 =	vmul.f32 $8.000000000e+00, v2  }
0x39: {  	s24 =	sshll.u32 s15, $0x6;
	[tilespmem:s7+$0x6400] =	vst v1;
	v0 =	vmul.f32 $8.000000000e+00, v0  }
0x3a: {  	s15 =	sor.u32 s5, s24;
	[tilespmem:s7+$0x6410] =	vst v2;
	v1 =	vmul.f32 $8.000000000e+00, v3  }
0x3b: {  	s15 =	sshrl.u32 s15, $0x3;
	[tilespmem:s7+$0x6420] =	vst v0  }
0x3c: {  	s15 =	sadd.s32 s2, s15;
	[tilespmem:s7+$0x6430] =	vst v1  }
0x3d: {  	[hbm4b:s15+s1] =	stream.strided.scatter [tilespmem:s20], [sflag:$0x3], $0x2000, s0, s1, $0x38;
	[tilespmem:$0x16400] =	vst v63  }
0x3e: {  	s17 =	sadd.s32 s8, s24;
	_ =	swait.ge [sflag:s18], $0x2000  }
0x3f: {  	s7 =	sshrl.u32 s17, $0x3;
	[sflag:s18] =	ssyncset.done $0x0  }
0x40: {  	s7 =	sadd.s32 s2, s7;
	[sflag:s18] =	ssyncadd.s32 $0xFFFFE000  }
0x41: {  	[hbm4b:s7+s1] =	stream.strided.scatter [tilespmem:s21], [sflag:$0x3], $0x2000, s0, s1, $0x38;
	[tilespmem:$0x16400] =	vst v63  }
0x42: {  	s15 =	sadd.s32 s9, s24;
	_ =	swait.ge [sflag:s18], $0x2000  }
0x43: {  	s7 =	sshrl.u32 s15, $0x3;
	[sflag:s18] =	ssyncset.done $0x0  }
0x44: {  	s7 =	sadd.s32 s2, s7;
	[sflag:s18] =	ssyncadd.s32 $0xFFFFE000  }
0x45: {  	[hbm4b:s7+s1] =	stream.strided.scatter [tilespmem:s23], [sflag:$0x3], $0x2000, s0, s1, $0x38;
	[tilespmem:$0x16400] =	vst v63  }
0x46: {  	s17 =	sadd.s32 s10, s24;
	_ =	swait.ge [sflag:s18], $0x2000  }
0x47: {  	s7 =	sshrl.u32 s17, $0x3;
	[sflag:s18] =	ssyncset.done $0x0  }
0x48: {  	s7 =	sadd.s32 s2, s7;
	[sflag:s18] =	ssyncadd.s32 $0xFFFFE000  }
0x49: {  	[hbm4b:s7+s1] =	stream.strided.scatter [tilespmem:s25], [sflag:$0x3], $0x2000, s0, s1, $0x38;
	[tilespmem:$0x16400] =	vst v63  }
0x4a: {  	p0 =	seq.s32 s22, $0x18;
	_ =	swait.ge [sflag:s18], $0x2000  }
0x4b: {  	s15 =	simm.s32 @!p0 $0x80;
	[sflag:s18] =	ssyncset.done $0x0  }
0x4c: {  	s17 =	simm.s32 @!p0 $0x6400;
	s7 =	sadd.s32 @!p0 $0x400, s3;
	[sflag:s18] =	ssyncadd.s32 $0xFFFFE000  }
0x4d: {  	[tilespmem:s17], [sflag:$0x1] =	stream.indirect.gather @!p0 [hbm4b:s4+s15], $0x40, s7, s15, $0xb8;
	[tilespmem:$0x16400] =	vst v63  }
0x4e: {  	s7 =	sadd.s32 @!p0 $0x480, s3;
	s17 =	simm.s32 @!p0 $0x8400  }
0x4f: {  	[tilespmem:s17], [sflag:$0x1] =	stream.indirect.gather @!p0 [hbm4b:s4+s15], $0x40, s7, s15, $0xb8;
	[tilespmem:$0x16400] =	vst v63  }
0x50: {  	s7 =	sadd.s32 @!p0 $0x500, s3;
	s17 =	simm.s32 @!p0 $0xA400  }
0x51: {  	[tilespmem:s17], [sflag:$0x1] =	stream.indirect.gather @!p0 [hbm4b:s4+s15], $0x40, s7, s15, $0xb8;
	[tilespmem:$0x16400] =	vst v63  }
0x52: {  	s3 =	sadd.s32 @!p0 $0x580, s3;
	s7 =	simm.s32 @!p0 $0xC400  }
0x53: {  	[tilespmem:s7], [sflag:$0x1] =	stream.indirect.gather @!p0 [hbm4b:s4+s15], $0x40, s3, s15, $0xb8;
	[tilespmem:$0x16400] =	vst v63  }
0x54: {  	_ =	swait.ge [sflag:s16], $0x8000  }
0x55: {  	[sflag:s16] =	ssyncset.done $0x0  }
0x56: {  	s3 =	simm.s32 $0x0;
	[sflag:s16] =	ssyncadd.s32 $0xFFFF8000  }
0x57: {  	v0 =	vld [tilespmem:s3+$0xE400]  }
0x58: {  	v2 =	vld [tilespmem:s3+$0xE410]  }
0x59: {  	s7 =	simm.s32 $0x100;
	v1 =	vld [tilespmem:s3+$0xE420]  }
.LBB2_5:
0x5a: {  	p0 =	sne.s32 s7, $0x1FF00;
	v3 =	vld [tilespmem:s3+$0xE430];
	_ =	sdelay $0x1  }
0x5b: {  	v0 =	vmul.f32 $8.000000000e+00, v0  }
.Ltmp1:
0x5c: {  	v2 =	vmul.f32 $8.000000000e+00, v2;
	(pc) =	sbr.rel @p0 .LBB2_5-.Ltmp1, $4  }
0x5d: {  	s15 =	sshra.s32 s7, $0x2;
	[tilespmem:s3+$0xE400] =	vst v0;
	v1 =	vmul.f32 $8.000000000e+00, v1  }
0x5e: {  	v0 =	vld [tilespmem:s15+$0xE400];
	[tilespmem:s3+$0xE410] =	vst v2;
	v3 =	vmul.f32 $8.000000000e+00, v3  }
0x5f: {  	v2 =	vld [tilespmem:s15+$0xE410];
	[tilespmem:s3+$0xE420] =	vst v1  }
0x60: {  	s7 =	sadd.s32 $0x100, s7;
	v1 =	vld [tilespmem:s15+$0xE420];
	[tilespmem:s3+$0xE430] =	vst v3;
	s3 =	smov.u32 s15  }
0x61: {  	v3 =	vld [tilespmem:s3+$0xE430];
	_ =	sdelay $0x1  }
0x62: {  	v0 =	vmul.f32 $8.000000000e+00, v0  }
0x63: {  	v2 =	vmul.f32 $8.000000000e+00, v2  }
0x64: {  	[tilespmem:s3+$0xE400] =	vst v0;
	v62 =	vmul.f32 $8.000000000e+00, v1  }
0x65: {  	s7 =	sadd.s32 s11, s24;
	[tilespmem:s3+$0xE410] =	vst v2;
	v63 =	vmul.f32 $8.000000000e+00, v3  }
0x66: {  	s7 =	sshrl.u32 s7, $0x3;
	[tilespmem:s3+$0xE420] =	vst v62  }
0x67: {  	s7 =	sadd.s32 s2, s7;
	[tilespmem:s3+$0xE430] =	vst v63  }
0x68: {  	[hbm4b:s7+s1] =	stream.strided.scatter [tilespmem:s26], [sflag:$0x3], $0x2000, s0, s1, $0x38;
	[tilespmem:$0x16400] =	vst v63  }
0x69: {  	s15 =	sadd.s32 s12, s24;
	_ =	swait.ge [sflag:s18], $0x2000  }
0x6a: {  	s3 =	sshrl.u32 s15, $0x3;
	[sflag:s18] =	ssyncset.done $0x0  }
0x6b: {  	s3 =	sadd.s32 s2, s3;
	[sflag:s18] =	ssyncadd.s32 $0xFFFFE000  }
0x6c: {  	[hbm4b:s3+s1] =	stream.strided.scatter [tilespmem:s28], [sflag:$0x3], $0x2000, s0, s1, $0x38;
	[tilespmem:$0x16400] =	vst v63  }
0x6d: {  	s17 =	sadd.s32 s13, s24;
	_ =	swait.ge [sflag:s18], $0x2000  }
0x6e: {  	s3 =	sshrl.u32 s17, $0x3;
	[sflag:s18] =	ssyncset.done $0x0  }
0x6f: {  	s3 =	sadd.s32 s2, s3;
	[sflag:s18] =	ssyncadd.s32 $0xFFFFE000  }
0x70: {  	[hbm4b:s3+s1] =	stream.strided.scatter [tilespmem:s29], [sflag:$0x3], $0x2000, s0, s1, $0x38;
	[tilespmem:$0x16400] =	vst v63  }
0x71: {  	s24 =	sadd.s32 s14, s24;
	s22 =	sadd.s32 $0x1, s22;
	_ =	swait.ge [sflag:s18], $0x2000  }
0x72: {  	p0 =	sne.s32 s22, $0x19;
	s3 =	sshrl.u32 s24, $0x3;
	[sflag:s18] =	ssyncset.done $0x0  }
.Ltmp2:
0x73: {  	s3 =	sadd.s32 s2, s3;
	[sflag:s18] =	ssyncadd.s32 $0xFFFFE000;
	(pc) =	sbr.rel @p0 .LBB2_2-.Ltmp2, $4  }
0x74: {  	[hbm4b:s3+s1] =	stream.strided.scatter [tilespmem:s30], [sflag:$0x3], $0x2000, s0, s1, $0x38;
	[tilespmem:$0x16400] =	vst v63  }
0x75: {  	_ =	swait.ge [sflag:s18], $0x2000  }
0x76: {  	[sflag:s18] =	ssyncset.done $0x0  }
0x77: {  	[sflag:s18] =	ssyncadd.s32 $0xFFFFE000  }
0x78: {  	s7 =	rddreg [dreg:$0x5]  }
0x79: {  	s3 =	rddreg [dreg:$0x4];
	s7 =	sadd.s32 $0x1, s7  }
0x7a: {  	p0 =	sne.s32 s7, s3  }
.Ltmp3:
0x7b: {  	_ = 	snop;
	(pc) =	sbr.rel @p0 .LBB2_1-.Ltmp3, $1  }
0x7c: {  	_ =	sdelay $0x3  }
0x7d: {  	_ =	sfence.sel $0x180000  }
0x7e: {  	[bflag:$0x0] =	sbarrier.arrive $0xFFFF  }
0x7f: {  	_ =	strace $0x90000047  }
0x80: {  	s0 =	stileid.u32;
	[bflag:$0x2] =	sbarrier.arrive $0xFFFF  }
0x81: {  	p0 =	sne.s32 s0, $0x0;
	s0 =	rddreg [dreg:$0x2]  }
0x82: {  	s0 =	sadd.s32 @!p0 $0x100000, s0  }
0x83: {  	[sflag:s0] =	ssyncadd.tile.s32 @!p0 $0x1;
	_ =	shalt  }
.Lfunc_end2:
_tile_overlayer_lowered:
.L_overlay_start_2:
0x84: {  	(tag) =	ssettag $0x2  }
0x85: {  	s0 =	rddreg [dreg:$0x0];
	s2 =	stileid.u32  }
0x86: {  	s1 =	rddreg [dreg:$0x1];
	p0 =	sne.s32 s2, $0x0  }
0x87: {  	s3 =	rddreg [dreg:$0x2];
	[bflag:$0x3] =	sbarrier.arrive $0xFFFF;
	s2 =	simm.s32 @!p0 $0x1C03  }
0x88: {  	[timem:s3], [sflag:s2] =	dma.local @!p0 [hbm:s0], s1  }
0x89: {  	s0 =	simm.s32 @!p0 $0x3  }
0x8a: {  	_ =	swait.ge @!p0 [sflag:s0], s1  }
0x8b: {  	s1 =	ssub.s32 @!p0 $0x0, s1;
	[sflag:s0] =	ssyncset.done @!p0 $0x0  }
0x8c: {  	[sflag:s0] =	ssyncadd.s32 @!p0 s1  }
0x8d: {  	[bflag:$0x3] =	sbarrier.arrive $0xFFFF  }
0x8e: {  	_ =	shalt  }

// kernel: sparse-core-data-format-call.cloned.1.call-start
scs
called_computation_lowered:
.L_overlay_start_0:
0x0: {  	s2 =	sld [smem:$0x3FD9]  }
0x1: {  	s3 =	sld [smem:$0x3FFE];
	_ =	sdelay $0x1  }
0x2: {  	s1 =	srdreg.scid  }
0x3: {  	s0 =	sand.u32 $0x1, s1  }
0x4: {  	s18 =	sshll.u32 s0, $0xA;
	s2 =	sadd.s32 s3, s2  }
0x5: {  	s2 =	sadd.s32 s2, s18  }
0x6: {  	[smem:$0x3FC6] =	sst s2  }
0x7: {  	_ = 	snop  }
0x8: {  	s2 =	sld [smem:$0x3FD0];
	(tm) =	ssettm $0x1  }
0x9: {  	s19 =	sld [smem:$0x3FFB];
	_ =	sdelay $0x3  }
0xa: {  	_ =	strace s19  }
0xb: {  	s3 =	sld [smem:$0x3FFC];
	_ =	sdelay $0x3  }
0xc: {  	_ =	strace s3  }
0xd: {  	s3 =	sld [smem:$0x3FFD];
	_ =	sdelay $0x3  }
0xe: {  	_ =	strace s3  }
0xf: {  	_ =	strace $0x8FFFFFFF  }
0x10: {  	s20 =	sld [smem:$0x3FDB];
	_ =	sdelay $0x1  }
0x11: {  	s4 =	simm.s32 $_scs_section_size  }
0x12: {  	s5 =	simm.s32 $_size__tile_overlayer_lowered;
	s6 =	simm.s32 $_tile_overlayer_lowered  }
0x13: {  	s23 =	simm.s32 $0x1BFF;
	s22 =	sshll.u32 s6, $0x1;
	s3 =	sadd.s32 s4, s20  }
0x14: {  	s7 =	simm.s32 $0x0;
	s21 =	sshll.u32 s5, $0x1;
	s5 =	sadd.s32 s22, s3  }
0x15: {  	[timem:s7], [sflag:s23] =	dma.local [hbm:s5], s21  }
0x16: {  	_ =	swait.ge [sflag:s23], s21  }
0x17: {  	s4 =	ssub.s32 $0x0, s21;
	[sflag:s23] =	ssyncset.done $0x0  }
0x18: {  	[sflag:s23] =	ssyncadd.s32 s4;
	_ =	sdelay $0x1  }
0x19: {  	s24 =	simm.s32 $0x1B8B  }
0x1a: {  	_ =	swait.ge [sflag:s24], $0x1  }
0x1b: {  	[sflag:s24] =	ssyncset.done $0x0  }
0x1c: {  	s26 =	simm.s32 $0x1B8E;
	s25 =	sld [smem:$0x3FFE];
	[sflag:s24] =	ssyncadd.s32 $0xFFFFFFFF  }
0x1d: {  	s27 =	simm.s32 $execute0_lowered;
	[smem:$0x3FD2] =	sst s26  }
0x1e: {  	s5 =	sshll.u32 s27, $0x1;
	_ =	strace $0x80000049;
	[dreg:$0x1] =	wrdreg $0xFFFFFFFF  }
0x1f: {  	s28 =	simm.s32 $_size_execute0_lowered;
	s3 =	sadd.s32 s3, s5;
	[dreg:$0x0] =	wrdreg $0x0  }
0x20: {  	s5 =	sshll.u32 s28, $0x1;
	[dreg:$0x2] =	wrdreg s3  }
0x21: {  	[dreg:$0x3] =	wrdreg s5  }
0x22: {  	[dreg:$0x4] =	wrdreg $0xC0  }
0x23: {  	_ =	task [dreg:s7], $0x5FFFF  }
0x24: {  	[dreg:$0x1] =	wrdreg $0xFFFFFFFF  }
0x25: {  	[dreg:$0x0] =	wrdreg $0x60  }
0x26: {  	[dreg:$0x2] =	wrdreg s25  }
0x27: {  	[dreg:$0x3] =	wrdreg s2  }
0x28: {  	[dreg:$0x4] =	wrdreg $0x9  }
0x29: {  	_ =	task.clear_ibuf [dreg:s7], $0x5FFFF;
	_ =	strace $0x90000049  }
0x2a: {  	s29 =	simm.s32 $0x9;
	_ =	strace $0x8000004B  }
0x2b: {  	_ =	swait.ge [sflag:s29], $0x1  }
0x2c: {  	[sflag:s29] =	ssyncadd.s32 $0xFFFFFFFF  }
0x2d: {  	_ =	strace $0x9000004B  }
0x2e: {  	_ =	sfence  }
0x2f: {  	s30 =	sld [smem:$0x0];
	_ =	sdelay $0x2  }
0x30: {  	s31 =	sshll.u32 s1, $0xD;
	s1 =	sshrl.u32 s1, $0x2  }
0x31: {  	s3 =	sand.u32 $0x4000, s31;
	s1 =	sadd.s32 s1, s30  }
0x32: {  	s0 =	sor.u32 s3, s0;
	s1 =	sshll.u32 s1, $0x11  }
0x33: {  	s0 =	sor.u32 s1, s0  }
0x34: {  	s0 =	sadd.s32 $0x8F2B, s0  }
0x35: {  	[sflag:s0] =	ssyncadd.remote.s32 $0x1  }
0x36: {  	_ =	sfence.sel $0xFFFF  }
0x37: {  	[dreg:$0x0] =	wrdreg $0xFFFFFFFF;
	(pc) =	sbr.abs _section_cstart, $3  }
0x38: {  	[dreg:$0x1] =	wrdreg $0xFFFFFFFF  }
0x39: {  	_ =	task.clear_ibuf [dreg:s7], $0x2FFFF;
	_ =	strace $0x9FFFFFFF  }
0x3a: {  	(tm) =	ssettm $0x7FFFFFFF  }
0x3b: {  	_ =	shalt  }
tec
execute0_lowered:
.L_overlay_start_1:
0x0: {  	(tag) =	ssettag $0x1  }
0x1: {  	s0 =	srdreg.scid  }
0x2: {  	s1 =	sshll.u32 s0, $0x4  }
0x3: {  	s0 =	stileid.u32;
	s1 =	sand.u32 $0x10, s1  }
0x4: {  	s1 =	sor.u32 s0, s1  }
0x5: {  	s6 =	rddreg [dreg:$0x0];
	s4 =	simm.s32 $0x1;
	s2 =	sshll.u32 s1, $0x7  }
0x6: {  	s7 =	simm.s32 $0x2;
	s12 =	simm.s32 $0x0;
	s1 =	ssub.s32 $0x1000, s2  }
0x7: {  	s8 =	simm.s32 $0x8000;
	s13 =	simm.s32 $0x0;
	s3 =	sand.u32 $0xF80, s1  }
0x8: {  	s9 =	simm.s32 $0x0;
	s5 =	sshrl.u32 s1, $0xC;
	p0 =	sne.s32 s3, $0x0  }
.Ltmp0:
0x9: {  	s1 =	rddreg [dreg:$0x2];
	s4 =	simm.s32 @!p0 $0x0;
	(pc) =	sbr.rel .LBB1_1-.Ltmp0, $4  }
0xa: {  	s11 =	simm.s32 $0x0;
	s3 =	rddreg [dreg:$0x1];
	s5 =	sadd.s32 s4, s5  }
0xb: {  	_ =	strace $0x8000004A;
	s4 =	simm.s32 $0x1;
	s5 =	smul.u32 $0xC8, s5  }
0xc: {  	s6 =	sadd.s32 $0xA00, s6;
	s10 =	smov.u32 s2;
	[sflag:s4] =	ssyncpa.u1 $0x0  }
0xd: {  	p0 =	por $0x0, $0x0;
	[sflag:s7] =	ssyncpa.u1 $0x0;
	s7 =	sor.u32 $0x1, s5  }
.LBB1_4:
0xe: {  	s16 =	sshll.u32 s13, $0x3;
	s17 =	sand.u32 $0x78, s13  }
0xf: {  	s30 =	sand.u32 $0x7E00, s13;
	s12 =	sshll.u32 s12, $0xF;
	s16 =	sand.u32 $0xC00, s16  }
0x10: {  	[tilespmem:s15+$0x810 ss:$0x81] =	vst.msk $0xffff, v2;
	s31 =	sand.u32 $0x7, s13;
	s16 =	sor.u32 s17, s16;
	s17 =	sadd.s32 s3, s30  }
0x11: {  	[tilespmem:s15+$0x1020 ss:$0x81] =	vst.msk $0xffff, v0;
	s13 =	sshll.u32 s31, $0x12;
	s12 =	sadd.s32 s12, s17;
	s16 =	sshrl.u32 s16, $0x3  }
0x12: {  	[tilespmem:s15+$0x0 ss:$0x81] =	vst.msk $0xffff, v1;
	s13 =	sor.u32 $0x400, s13;
	s12 =	sadd.s32 s16, s12  }
0x13: {  	[hbm4b:s12+s13] =	stream.strided.scatter [tilespmem:s14], [sflag:$0x2], $0x2000, s8, s13, $0x20;
	[tilespmem:$0x8080] =	vst v63  }
.LBB1_5:
0x14: {  	s14 =	sadd.s32 $0x1, s9  }
0x15: {  	s12 =	sadd.s32 $0x1000, s10;
	s16 =	smov.u32 s10;
	p2 =	sgt.s32 s14, $0xC7  }
0x16: {  	s16 =	smov.u32 @p2 s12  }
0x17: {  	s14 =	simm.s32 @p2 $0x0;
	p2 =	sgt.s32 s16, $0xFFF  }
0x18: {  	s16 =	smov.u32 @p2 s2;
	p2 =	sne.s32 s11, s7  }
.Ltmp1:
0x19: {  	p1 =	slt.u32 s11, $0x2;
	(pc) =	sbr.rel @!p2 .LBB1_6-.Ltmp1, $4  }
0x1a: {  	s15 =	simm.s32 @!p1 $0x2  }
0x1b: {  	s13 =	smov.u32 s10;
	p0 =	por !p0, !p0;
	_ =	swait.ge @!p1 [sflag:s15], $0x2000  }
0x1c: {  	s12 =	smov.u32 s9;
	[sflag:s15] =	ssyncset.done @!p1 $0x0;
	s9 =	smov.u32 s14  }
0x1d: {  	s11 =	sadd.s32 $0x1, s11;
	[sflag:s15] =	ssyncadd.s32 @!p1 $0xFFFFE000;
	s10 =	smov.u32 s16  }
.LBB1_1:
0x1e: {  	p1 =	sge.u32 s11, s5  }
0x1f: {  	s14 =	sand.u32 @!p1 $0x1FFFFFF, s9  }
0x20: {  	s15 =	smulhi.u32 @!p1 $0x147AE15, s14;
	_ =	sdelay $0x1  }
0x21: {  	s15 =	smul.u32 @!p1 $0xC8, s15  }
0x22: {  	s16 =	sxor.u32 @!p1 $0xFFFFFFFF, s11;
	s17 =	smul.u32 @!p1 $0xC80, s10  }
0x23: {  	s31 =	sadd.s32 $0xFFFFFFFF, s11;
	s16 =	sshll.u32 @!p1 s16, $0xD;
	s14 =	ssub.s32 @!p1 s14, s15  }
0x24: {  	s15 =	sand.u32 @!p1 $0x2000, s16;
	s16 =	sadd.s32 @!p1 s6, s17;
	s14 =	sshll.u32 @!p1 s14, $0x4  }
0x25: {  	s17 =	simm.s32 @!p1 $0x6400;
	s14 =	sadd.s32 @!p1 s14, s16;
	s16 =	simm.s32 @!p1 $0x40  }
0x26: {  	[tilespmem:s15], [sflag:$0x1] =	stream.strided.gather @!p1 [hbm4b:s14+s16], $0x2000, s17, s16, $0x38;
	[tilespmem:$0x8080] =	vst v63  }
0x27: {  	p1 =	sge.u32 s31, s5  }
.Ltmp2:
0x28: {  	_ = 	snop;
	(pc) =	sbr.rel @p1 .LBB1_5-.Ltmp2, $1  }
0x29: {  	_ =	sdelay $0x3  }
0x2a: {  	s14 =	simm.s32 $0x1  }
0x2b: {  	_ =	swait.ge [sflag:s4], $0x2000;
	s14 =	simm.s32 @!p0 $0x0  }
0x2c: {  	[sflag:s4] =	ssyncset.done $0x0;
	s15 =	sshll.u32 s14, $0xD  }
0x2d: {  	[sflag:s4] =	ssyncadd.s32 $0xFFFFE000;
	s18 =	sor.u32 $0x20, s15  }
0x2e: {  	s14 =	smul.u32 $0x8100, s14;
	v3 =	vld [tilespmem:s18+$0x10]  }
0x2f: {  	s30 =	sand.u32 $0x1, s11;
	v2 =	vld [tilespmem:s18+$0xFFFFFFF0]  }
0x30: {  	s15 =	smul.u32 $0x8100, s30;
	s14 =	sshrl.u32 s14, $0x2;
	v0 =	vld [tilespmem:s18+$0x0]  }
0x31: {  	v1 =	vld [tilespmem:s18+$0xFFFFFFE0];
	s16 =	sor.u32 $0x4000, s14  }
0x32: {  	s31 =	sshrl.u32 s15, $0x2;
	s15 =	sadd.s32 $0x0, s16  }
0x33: {  	s17 =	simm.s32 $0x4;
	s18 =	sadd.s32 $0x40, s18;
	s14 =	sor.u32 $0x4000, s31;
	[tilespmem:s15+$0x1830 ss:$0x81] =	vst.msk $0xffff, v3  }
.LBB1_3:
0x34: {  	v3 =	vld [tilespmem:s18+$0x10];
	p1 =	sne.s32 s17, $0x1FC;
	[tilespmem:s15+$0x810 ss:$0x81] =	vst.msk $0xffff, v2;
	s19 =	smov.u32 s17;
	s17 =	sadd.s32 $0x4, s17  }
.Ltmp3:
0x35: {  	v2 =	vld [tilespmem:s18+$0xFFFFFFF0];
	[tilespmem:s15+$0x1020 ss:$0x81] =	vst.msk $0xffff, v0;
	(pc) =	sbr.rel @p1 .LBB1_3-.Ltmp3, $4  }
0x36: {  	v0 =	vld [tilespmem:s18+$0x0];
	[tilespmem:s15+$0x0 ss:$0x81] =	vst.msk $0xffff, v1  }
0x37: {  	s15 =	sshra.s32 s19, $0x2;
	v1 =	vld [tilespmem:s18+$0xFFFFFFE0]  }
0x38: {  	s15 =	sadd.s32 s15, s16  }
0x39: {  	s18 =	sadd.s32 $0x40, s18;
	[tilespmem:s15+$0x1830 ss:$0x81] =	vst.msk $0xffff, v3  }
.Ltmp4:
0x3a: {  	_ = 	snop;
	(pc) =	sbr.rel .LBB1_4-.Ltmp4, $1  }
0x3b: {  	_ =	sdelay $0x3  }
.LBB1_6:
0x3c: {  	_ =	sfence.sel $0x180000  }
0x3d: {  	s2 =	simm.s32 $0x1;
	[bflag:$0x0] =	sbarrier.arrive $0xFFFF  }
0x3e: {  	s31 =	simm.s32 $0x2;
	[sflag:s2] =	ssyncpa.u1 $0x1  }
0x3f: {  	[sflag:s31] =	ssyncpa.u1 $0x1  }
0x40: {  	p0 =	sne.s32 s0, $0x0;
	_ =	strace $0x9000004A  }
0x41: {  	s0 =	sadd.s32 @!p0 $0x100000, s1;
	[bflag:$0x2] =	sbarrier.arrive $0xFFFF  }
0x42: {  	[sflag:s0] =	ssyncadd.tile.s32 @!p0 $0x1;
	_ =	shalt  }
.Lfunc_end1:
_tile_overlayer_lowered:
.L_overlay_start_2:
0x43: {  	(tag) =	ssettag $0x2  }
0x44: {  	s0 =	rddreg [dreg:$0x0];
	s2 =	stileid.u32  }
0x45: {  	s1 =	rddreg [dreg:$0x1];
	p0 =	sne.s32 s2, $0x0  }
0x46: {  	s3 =	rddreg [dreg:$0x2];
	[bflag:$0x3] =	sbarrier.arrive $0xFFFF;
	s2 =	simm.s32 @!p0 $0x1C01  }
0x47: {  	[timem:s3], [sflag:s2] =	dma.local @!p0 [hbm:s0], s1  }
0x48: {  	s0 =	simm.s32 @!p0 $0x1  }
0x49: {  	_ =	swait.ge @!p0 [sflag:s0], s1  }
0x4a: {  	s1 =	ssub.s32 @!p0 $0x0, s1;
	[sflag:s0] =	ssyncset.done @!p0 $0x0  }
0x4b: {  	[sflag:s0] =	ssyncadd.s32 @!p0 s1  }
0x4c: {  	[bflag:$0x3] =	sbarrier.arrive $0xFFFF  }
0x4d: {  	_ =	shalt  }

</sc_bundles>
